<compile_context>
chip_gen: v7x
topology: tpu7x:2x2x1
jax: 0.10.2.dev20260603
libtpu: 0.0.44.dev20260713+nightly
codegen_flags: <defaults>
</compile_context>

<pallas_src>
import functools

import jax
import jax.numpy as jnp
from jax import lax
from jax.experimental import pallas as pl
from jax.experimental.pallas import tpu as pltpu
from jax.experimental.pallas import tpu_sc as plsc

BATCH = 4096
SLOT = 26
NNZ = 20
VOCAB = 1000000
DIM = 32

NC = 2
NS = 16
NW = NC * NS
LANES = 16

SEGS = BATCH * SLOT
SPW = SEGS // NW
CSEG = 64
CKEY = CSEG * NNZ
NCHUNK = SPW // CSEG
GCHUNK = 128
NGATHER = CKEY // GCHUNK


def _emb_kernel(table_hbm, keys_hbm, out_hbm,
                idx0, idx1, rows0, rows1, out0, out1, sem0, sem1):
    wid = lax.axis_index("s") * NC + lax.axis_index("c")
    seg_base = wid * SPW
    key_base = seg_base * NNZ
    idx_v = (idx0, idx1)
    rows_v = (rows0, rows1)
    out_v = (out0, out1)
    sems = (sem0, sem1)

    def fire(chunk, b):
        pltpu.sync_copy(keys_hbm.at[pl.ds(key_base + chunk * CKEY, CKEY)],
                        idx_v[b])
        for j in range(NGATHER):
            pltpu.async_copy(
                table_hbm.at[idx_v[b].at[pl.ds(j * GCHUNK, GCHUNK)]],
                rows_v[b].at[pl.ds(j * GCHUNK, GCHUNK)],
                sems[b])

    def drain(b):
        for j in range(NGATHER):
            pltpu.make_async_copy(
                table_hbm.at[idx_v[b].at[pl.ds(j * GCHUNK, GCHUNK)]],
                rows_v[b].at[pl.ds(j * GCHUNK, GCHUNK)],
                sems[b]).wait()

    def reduce_store(chunk, b):
        rows = rows_v[b]
        out = out_v[b]

        @pl.loop(0, CSEG)
        def seg_body(s):
            r = s * NNZ
            acc0 = rows[r, pl.ds(0, LANES)]
            acc1 = rows[r, pl.ds(LANES, LANES)]
            for j in range(1, NNZ):
                acc0 = acc0 + rows[r + j, pl.ds(0, LANES)]
                acc1 = acc1 + rows[r + j, pl.ds(LANES, LANES)]
            out[s, pl.ds(0, LANES)] = acc0
            out[s, pl.ds(LANES, LANES)] = acc1

        pltpu.sync_copy(out, out_hbm.at[pl.ds(seg_base + chunk * CSEG, CSEG)])

    fire(0, 0)

    @pl.loop(0, NCHUNK, step=2)
    def chunk_body(cc):
        for b in range(2):
            c = cc + b
            nxt = c + 1

            @pl.when(nxt < NCHUNK)
            def _():
                fire(nxt, 1 - b)

            drain(b)
            reduce_store(c, b)


TB = 256
NBF = VOCAB // TB
TAIL = VOCAB - NBF * TB
BPW = NBF // NW
BXTRA = NBF - BPW * NW


def _tr_kernel(tt_hbm, out_hbm, in0, in1, int_, ov33, ov0, ov1,
               sem0, sem1, semo0, semo1):
    wid = lax.axis_index("s") * NC + lax.axis_index("c")
    extra = wid < BXTRA
    tailw = wid == NW - 1
    start = wid * BPW + jnp.minimum(wid, BXTRA)
    iota = lax.iota(jnp.int32, 16)
    bufs = (in0, in1)
    sems = (sem0, sem1)
    ovs = (ov0, ov1)
    semo = (semo0, semo1)

    def fire(b, u):
        v0 = (start + b) * TB
        pltpu.async_copy(tt_hbm.at[pl.ds(0, DIM), pl.ds(v0, TB)],
                         bufs[u], sems[u])

    def drain(u):
        pltpu.make_async_copy(tt_hbm.at[pl.ds(0, DIM), pl.ds(0, TB)],
                              bufs[u], sems[u]).wait()

    def fire_out(b, u, width):
        v0 = (start + b) * TB
        pltpu.async_copy(ovs[u].at[pl.ds(0, width * DIM)],
                         out_hbm.at[pl.ds(v0 * DIM, width * DIM)],
                         semo[u])

    def drain_out(u, width):
        pltpu.make_async_copy(ovs[u].at[pl.ds(0, width * DIM)],
                              out_hbm.at[pl.ds(0, width * DIM)],
                              semo[u]).wait()

    iota33 = iota * (DIM + 1)

    def extract(src, ov, width):
        for l0 in range(0, width, 16):
            base = iota33 + l0 * (DIM + 1)
            for d in range(DIM):
                row = src[d, pl.ds(l0, 16)]
                plsc.store_scatter(ov33, [base + d], row)

        for l in range(width):
            s = l * (DIM + 1)
            t = l * DIM
            ov[pl.ds(t, 16)] = ov33[pl.ds(s, 16)]
            ov[pl.ds(t + 16, 16)] = ov33[pl.ds(s + 16, 16)]

    fire(0, 0)

    @pl.loop(0, BPW, step=2)
    def pair(b):
        fire(b + 1, 1)
        drain(0)

        @pl.when(b >= 2)
        def _():
            drain_out(0, TB)

        extract(in0, ov0, TB)
        fire_out(b, 0, TB)

        @pl.when(jnp.logical_or(b + 2 < BPW, extra))
        def _():
            fire(b + 2, 0)

        drain(1)

        @pl.when(b >= 2)
        def _():
            drain_out(1, TB)

        extract(in1, ov1, TB)
        fire_out(b + 1, 1, TB)

    @pl.when(extra)
    def _():
        drain(0)
        drain_out(0, TB)
        extract(in0, ov0, TB)
        fire_out(BPW, 0, TB)

    @pl.when(tailw)
    def _():
        pltpu.sync_copy(tt_hbm.at[pl.ds(0, DIM), pl.ds(NBF * TB, TAIL)],
                        int_)
        drain_out(1, TB)
        extract(int_, ov1, TAIL)
        pltpu.async_copy(ov1.at[pl.ds(0, TAIL * DIM)],
                         out_hbm.at[pl.ds(NBF * TB * DIM, TAIL * DIM)],
                         semo1)

    drain_out(0, TB)

    @pl.when(tailw)
    def _():
        drain_out(1, TAIL)

    @pl.when(jnp.logical_not(tailw))
    def _():
        drain_out(1, TB)


def _sc_transpose(table):
    mesh = plsc.VectorSubcoreMesh(
        core_axis_name="c", subcore_axis_name="s",
        num_cores=NC, num_subcores=NS)
    f = pl.kernel(
        _tr_kernel,
        out_type=jax.ShapeDtypeStruct((VOCAB * DIM,), jnp.float32),
        mesh=mesh,
        scratch_types=[
            pltpu.VMEM((DIM, TB), jnp.float32),
            pltpu.VMEM((DIM, TB), jnp.float32),
            pltpu.VMEM((DIM, TAIL), jnp.float32),
            pltpu.VMEM((TB * (DIM + 1),), jnp.float32),
            pltpu.VMEM((TB * DIM,), jnp.float32),
            pltpu.VMEM((TB * DIM,), jnp.float32),
            pltpu.SemaphoreType.DMA,
            pltpu.SemaphoreType.DMA,
            pltpu.SemaphoreType.DMA,
            pltpu.SemaphoreType.DMA,
        ],
        compiler_params=pltpu.CompilerParams(needs_layout_passes=False),
    )
    return f(table.T)


@jax.jit
def _run(keys, tflat):
    table = tflat.reshape(VOCAB, DIM)
    mesh = plsc.VectorSubcoreMesh(
        core_axis_name="c", subcore_axis_name="s",
        num_cores=NC, num_subcores=NS)
    f = pl.kernel(
        _emb_kernel,
        out_type=jax.ShapeDtypeStruct((SEGS, DIM), jnp.float32),
        mesh=mesh,
        scratch_types=[
            pltpu.VMEM((CKEY,), jnp.int32),
            pltpu.VMEM((CKEY,), jnp.int32),
            pltpu.VMEM((CKEY, DIM), jnp.float32),
            pltpu.VMEM((CKEY, DIM), jnp.float32),
            pltpu.VMEM((CSEG, DIM), jnp.float32),
            pltpu.VMEM((CSEG, DIM), jnp.float32),
            pltpu.SemaphoreType.DMA,
            pltpu.SemaphoreType.DMA,
        ],
        compiler_params=pltpu.CompilerParams(use_tc_tiling_on_sc=False),
    )
    return f(table, keys)


def kernel(inputs, table):
    keys = inputs.reshape(-1)
    out = _run(keys, _sc_transpose(table))
    return out.reshape(BATCH, SLOT, DIM)

# --- scband reference (transcript-rebuilt; emitter-appended) ---
"""Pipeline reference for scband-distributed-embedding-76828374991705 (READ-ONLY COPY).

The authoritative reference and input builder live on the scoring server;
editing this copy changes nothing except your own understanding.
"""

import jax, jax.numpy as jnp
import numpy as np

BATCH = 4096
SLOT = 26
NNZ = 20
VOCAB = 1000000
DIM = 32


def setup_inputs(seed: int = 0) -> dict:
    key = jax.random.key(seed)
    k1, k2 = jax.random.split(key)
    # SparseTensor modeled as a fully-dense key matrix [batch*slot_num, max_nnz]
    inputs = jax.random.randint(k1, (BATCH * SLOT, NNZ), 0, VOCAB, dtype=jnp.int32)
    # Embedding variable [max_vocabulary_size_per_gpu, embedding_vec_size],
    # random_uniform(-0.05, 0.05) as in the default initializer.
    table = jax.random.uniform(k2, (VOCAB, DIM), dtype=jnp.float32, minval=-0.05, maxval=0.05)
    return {"inputs": inputs, "table": table}


def reference(inputs, table):
    # embedding_lookup_sparse with combiner='sum':
    # gather per-key embedding vectors then reduce within each slot.
    gathered = jnp.take(table, inputs, axis=0)          # [B*slot, nnz, dim]
    combined = jnp.sum(gathered, axis=1)                # [B*slot, dim]
    emb_vector = combined.reshape(BATCH, SLOT, DIM)     # [B, slot_num, dim]
    return emb_vector

if __name__ == "__main__":
    import jax
    _d = setup_inputs()
    print(jax.jit(kernel)(*tuple(_d.values())))

</pallas_src>

<mosaic_0001>
#map = affine_map<(d0, d1) -> (0, 0)>
#map1 = affine_map<(d0, d1) -> (0)>
module attributes {stable_mosaic.version = 14 : i64} {
  func.func @_emb_kernel(%arg0: i32, %arg1: i32, %arg2: memref<1000000x32xf32, #tpu.memory_space<hbm>>, %arg3: memref<2129920xi32, #tpu.memory_space<hbm>>, %arg4: memref<106496x32xf32, #tpu.memory_space<hbm>>, %arg5: memref<1280xi32, #tpu.memory_space<vmem>>, %arg6: memref<1280xi32, #tpu.memory_space<vmem>>, %arg7: memref<1280x32xf32, #tpu.memory_space<vmem>>, %arg8: memref<1280x32xf32, #tpu.memory_space<vmem>>, %arg9: memref<64x32xf32, #tpu.memory_space<vmem>>, %arg10: memref<64x32xf32, #tpu.memory_space<vmem>>, %arg11: memref<!tpu.dma_semaphore, #tpu.memory_space<semaphore_mem>>, %arg12: memref<!tpu.dma_semaphore, #tpu.memory_space<semaphore_mem>>) attributes {dimension_semantics = [#tpu.dimension_semantics<core_parallel>, #tpu.dimension_semantics<subcore_parallel>], iteration_bounds = array<i64: 2, 16>, scalar_prefetch = 0 : i64, scratch_operands = 8 : i64, tpu.core_type = #tpu.core_type<sc_vector_subcore>, window_params = [{transform_indices = #map}, {transform_indices = #map1}, {transform_indices = #map}]} {
    %mul3A = arith.constant 2 : i32
    %mul3A_0 = arith.muli %arg1, %mul3A : i32
    %add3A = arith.addi %mul3A_0, %arg0 : i32
    %mul3A_1 = arith.constant 3328 : i32
    %mul3A_2 = arith.muli %add3A, %mul3A_1 : i32
    %mul3A_3 = arith.constant 20 : i32
    %mul3A_4 = arith.muli %mul3A_2, %mul3A_3 : i32
    %add3A_5 = arith.constant 0 : i32
    %add3A_6 = arith.addi %mul3A_4, %add3A_5 : i32
    "tpu.region"() ({
      %run_scoped3A = tpu.sem_alloc : memref<!tpu.dma_semaphore, #tpu.memory_space<semaphore_mem>>
      %dma_start3A_90 = tpu.memref_slice %arg3[%add3A_6] : memref<2129920xi32, #tpu.memory_space<hbm>> -> memref<1280xi32, #tpu.memory_space<hbm>>
      %dma_start3A_91 = tpu.memref_slice %arg3[%add3A_6] : memref<2129920xi32, #tpu.memory_space<hbm>> -> memref<1280xi32, #tpu.memory_space<hbm>>
      tpu.enqueue_dma source(%dma_start3A_91 : memref<1280xi32, #tpu.memory_space<hbm>>) target(%arg5 : memref<1280xi32, #tpu.memory_space<vmem>>) target_semaphore(%run_scoped3A : memref<!tpu.dma_semaphore, #tpu.memory_space<semaphore_mem>>)
      %dma_wait3A = tpu.memref_slice %arg3[%add3A_6] : memref<2129920xi32, #tpu.memory_space<hbm>> -> memref<1280xi32, #tpu.memory_space<hbm>>
      %dma_wait3A_92 = tpu.memref_slice %arg3[%add3A_6] : memref<2129920xi32, #tpu.memory_space<hbm>> -> memref<1280xi32, #tpu.memory_space<hbm>>
      tpu.wait_dma2 semaphore(%run_scoped3A : memref<!tpu.dma_semaphore, #tpu.memory_space<semaphore_mem>>) src(%dma_wait3A_92 : memref<1280xi32, #tpu.memory_space<hbm>>) dst(%arg5 : memref<1280xi32, #tpu.memory_space<vmem>>)
      tpu.yield
    }) : () -> ()
    %dma_start3A = arith.constant 0 : i32
    %dma_start3A_7 = arith.constant 0 : i32
    %dma_start3A_8 = tpu.memref_slice %arg7[%dma_start3A, %dma_start3A_7] : memref<1280x32xf32, #tpu.memory_space<vmem>> -> memref<128x32xf32, #tpu.memory_space<vmem>>
    %dma_start3A_9 = arith.constant 0 : i32
    %dma_start3A_10 = tpu.memref_slice %arg5[%dma_start3A_9] : memref<1280xi32, #tpu.memory_space<vmem>> -> memref<128xi32, #tpu.memory_space<vmem>>
    %dma_start3A_11 = arith.constant 0 : i32
    %dma_start3A_12 = arith.constant 0 : i32
    %dma_start3A_13 = tpu.memref_slice %arg2[%dma_start3A_11, %dma_start3A_12] : memref<1000000x32xf32, #tpu.memory_space<hbm>> -> memref<1000000x32xf32, #tpu.memory_space<hbm>>
    tpu.enqueue_indirect_dma source(%dma_start3A_13 : memref<1000000x32xf32, #tpu.memory_space<hbm>>) target(%dma_start3A_8 : memref<128x32xf32, #tpu.memory_space<vmem>>) offsets(%dma_start3A_10 : memref<128xi32, #tpu.memory_space<vmem>>) semaphore(%arg11 : memref<!tpu.dma_semaphore, #tpu.memory_space<semaphore_mem>>)
    %dma_start3A_14 = arith.constant 128 : i32
    %dma_start3A_15 = arith.constant 0 : i32
    %dma_start3A_16 = tpu.memref_slice %arg7[%dma_start3A_14, %dma_start3A_15] : memref<1280x32xf32, #tpu.memory_space<vmem>> -> memref<128x32xf32, #tpu.memory_space<vmem>>
    %dma_start3A_17 = arith.constant 128 : i32
    %dma_start3A_18 = tpu.memref_slice %arg5[%dma_start3A_17] : memref<1280xi32, #tpu.memory_space<vmem>> -> memref<128xi32, #tpu.memory_space<vmem>>
    %dma_start3A_19 = arith.constant 0 : i32
    %dma_start3A_20 = arith.constant 0 : i32
    %dma_start3A_21 = tpu.memref_slice %arg2[%dma_start3A_19, %dma_start3A_20] : memref<1000000x32xf32, #tpu.memory_space<hbm>> -> memref<1000000x32xf32, #tpu.memory_space<hbm>>
    tpu.enqueue_indirect_dma source(%dma_start3A_21 : memref<1000000x32xf32, #tpu.memory_space<hbm>>) target(%dma_start3A_16 : memref<128x32xf32, #tpu.memory_space<vmem>>) offsets(%dma_start3A_18 : memref<128xi32, #tpu.memory_space<vmem>>) semaphore(%arg11 : memref<!tpu.dma_semaphore, #tpu.memory_space<semaphore_mem>>)
    %dma_start3A_22 = arith.constant 256 : i32
    %dma_start3A_23 = arith.constant 0 : i32
    %dma_start3A_24 = tpu.memref_slice %arg7[%dma_start3A_22, %dma_start3A_23] : memref<1280x32xf32, #tpu.memory_space<vmem>> -> memref<128x32xf32, #tpu.memory_space<vmem>>
    %dma_start3A_25 = arith.constant 256 : i32
    %dma_start3A_26 = tpu.memref_slice %arg5[%dma_start3A_25] : memref<1280xi32, #tpu.memory_space<vmem>> -> memref<128xi32, #tpu.memory_space<vmem>>
    %dma_start3A_27 = arith.constant 0 : i32
    %dma_start3A_28 = arith.constant 0 : i32
    %dma_start3A_29 = tpu.memref_slice %arg2[%dma_start3A_27, %dma_start3A_28] : memref<1000000x32xf32, #tpu.memory_space<hbm>> -> memref<1000000x32xf32, #tpu.memory_space<hbm>>
    tpu.enqueue_indirect_dma source(%dma_start3A_29 : memref<1000000x32xf32, #tpu.memory_space<hbm>>) target(%dma_start3A_24 : memref<128x32xf32, #tpu.memory_space<vmem>>) offsets(%dma_start3A_26 : memref<128xi32, #tpu.memory_space<vmem>>) semaphore(%arg11 : memref<!tpu.dma_semaphore, #tpu.memory_space<semaphore_mem>>)
    %dma_start3A_30 = arith.constant 384 : i32
    %dma_start3A_31 = arith.constant 0 : i32
    %dma_start3A_32 = tpu.memref_slice %arg7[%dma_start3A_30, %dma_start3A_31] : memref<1280x32xf32, #tpu.memory_space<vmem>> -> memref<128x32xf32, #tpu.memory_space<vmem>>
    %dma_start3A_33 = arith.constant 384 : i32
    %dma_start3A_34 = tpu.memref_slice %arg5[%dma_start3A_33] : memref<1280xi32, #tpu.memory_space<vmem>> -> memref<128xi32, #tpu.memory_space<vmem>>
    %dma_start3A_35 = arith.constant 0 : i32
    %dma_start3A_36 = arith.constant 0 : i32
    %dma_start3A_37 = tpu.memref_slice %arg2[%dma_start3A_35, %dma_start3A_36] : memref<1000000x32xf32, #tpu.memory_space<hbm>> -> memref<1000000x32xf32, #tpu.memory_space<hbm>>
    tpu.enqueue_indirect_dma source(%dma_start3A_37 : memref<1000000x32xf32, #tpu.memory_space<hbm>>) target(%dma_start3A_32 : memref<128x32xf32, #tpu.memory_space<vmem>>) offsets(%dma_start3A_34 : memref<128xi32, #tpu.memory_space<vmem>>) semaphore(%arg11 : memref<!tpu.dma_semaphore, #tpu.memory_space<semaphore_mem>>)
    %dma_start3A_38 = arith.constant 512 : i32
    %dma_start3A_39 = arith.constant 0 : i32
    %dma_start3A_40 = tpu.memref_slice %arg7[%dma_start3A_38, %dma_start3A_39] : memref<1280x32xf32, #tpu.memory_space<vmem>> -> memref<128x32xf32, #tpu.memory_space<vmem>>
    %dma_start3A_41 = arith.constant 512 : i32
    %dma_start3A_42 = tpu.memref_slice %arg5[%dma_start3A_41] : memref<1280xi32, #tpu.memory_space<vmem>> -> memref<128xi32, #tpu.memory_space<vmem>>
    %dma_start3A_43 = arith.constant 0 : i32
    %dma_start3A_44 = arith.constant 0 : i32
    %dma_start3A_45 = tpu.memref_slice %arg2[%dma_start3A_43, %dma_start3A_44] : memref<1000000x32xf32, #tpu.memory_space<hbm>> -> memref<1000000x32xf32, #tpu.memory_space<hbm>>
    tpu.enqueue_indirect_dma source(%dma_start3A_45 : memref<1000000x32xf32, #tpu.memory_space<hbm>>) target(%dma_start3A_40 : memref<128x32xf32, #tpu.memory_space<vmem>>) offsets(%dma_start3A_42 : memref<128xi32, #tpu.memory_space<vmem>>) semaphore(%arg11 : memref<!tpu.dma_semaphore, #tpu.memory_space<semaphore_mem>>)
    %dma_start3A_46 = arith.constant 640 : i32
    %dma_start3A_47 = arith.constant 0 : i32
    %dma_start3A_48 = tpu.memref_slice %arg7[%dma_start3A_46, %dma_start3A_47] : memref<1280x32xf32, #tpu.memory_space<vmem>> -> memref<128x32xf32, #tpu.memory_space<vmem>>
    %dma_start3A_49 = arith.constant 640 : i32
    %dma_start3A_50 = tpu.memref_slice %arg5[%dma_start3A_49] : memref<1280xi32, #tpu.memory_space<vmem>> -> memref<128xi32, #tpu.memory_space<vmem>>
    %dma_start3A_51 = arith.constant 0 : i32
    %dma_start3A_52 = arith.constant 0 : i32
    %dma_start3A_53 = tpu.memref_slice %arg2[%dma_start3A_51, %dma_start3A_52] : memref<1000000x32xf32, #tpu.memory_space<hbm>> -> memref<1000000x32xf32, #tpu.memory_space<hbm>>
    tpu.enqueue_indirect_dma source(%dma_start3A_53 : memref<1000000x32xf32, #tpu.memory_space<hbm>>) target(%dma_start3A_48 : memref<128x32xf32, #tpu.memory_space<vmem>>) offsets(%dma_start3A_50 : memref<128xi32, #tpu.memory_space<vmem>>) semaphore(%arg11 : memref<!tpu.dma_semaphore, #tpu.memory_space<semaphore_mem>>)
    %dma_start3A_54 = arith.constant 768 : i32
    %dma_start3A_55 = arith.constant 0 : i32
    %dma_start3A_56 = tpu.memref_slice %arg7[%dma_start3A_54, %dma_start3A_55] : memref<1280x32xf32, #tpu.memory_space<vmem>> -> memref<128x32xf32, #tpu.memory_space<vmem>>
    %dma_start3A_57 = arith.constant 768 : i32
    %dma_start3A_58 = tpu.memref_slice %arg5[%dma_start3A_57] : memref<1280xi32, #tpu.memory_space<vmem>> -> memref<128xi32, #tpu.memory_space<vmem>>
    %dma_start3A_59 = arith.constant 0 : i32
    %dma_start3A_60 = arith.constant 0 : i32
    %dma_start3A_61 = tpu.memref_slice %arg2[%dma_start3A_59, %dma_start3A_60] : memref<1000000x32xf32, #tpu.memory_space<hbm>> -> memref<1000000x32xf32, #tpu.memory_space<hbm>>
    tpu.enqueue_indirect_dma source(%dma_start3A_61 : memref<1000000x32xf32, #tpu.memory_space<hbm>>) target(%dma_start3A_56 : memref<128x32xf32, #tpu.memory_space<vmem>>) offsets(%dma_start3A_58 : memref<128xi32, #tpu.memory_space<vmem>>) semaphore(%arg11 : memref<!tpu.dma_semaphore, #tpu.memory_space<semaphore_mem>>)
    %dma_start3A_62 = arith.constant 896 : i32
    %dma_start3A_63 = arith.constant 0 : i32
    %dma_start3A_64 = tpu.memref_slice %arg7[%dma_start3A_62, %dma_start3A_63] : memref<1280x32xf32, #tpu.memory_space<vmem>> -> memref<128x32xf32, #tpu.memory_space<vmem>>
    %dma_start3A_65 = arith.constant 896 : i32
    %dma_start3A_66 = tpu.memref_slice %arg5[%dma_start3A_65] : memref<1280xi32, #tpu.memory_space<vmem>> -> memref<128xi32, #tpu.memory_space<vmem>>
    %dma_start3A_67 = arith.constant 0 : i32
    %dma_start3A_68 = arith.constant 0 : i32
    %dma_start3A_69 = tpu.memref_slice %arg2[%dma_start3A_67, %dma_start3A_68] : memref<1000000x32xf32, #tpu.memory_space<hbm>> -> memref<1000000x32xf32, #tpu.memory_space<hbm>>
    tpu.enqueue_indirect_dma source(%dma_start3A_69 : memref<1000000x32xf32, #tpu.memory_space<hbm>>) target(%dma_start3A_64 : memref<128x32xf32, #tpu.memory_space<vmem>>) offsets(%dma_start3A_66 : memref<128xi32, #tpu.memory_space<vmem>>) semaphore(%arg11 : memref<!tpu.dma_semaphore, #tpu.memory_space<semaphore_mem>>)
    %dma_start3A_70 = arith.constant 1024 : i32
    %dma_start3A_71 = arith.constant 0 : i32
    %dma_start3A_72 = tpu.memref_slice %arg7[%dma_start3A_70, %dma_start3A_71] : memref<1280x32xf32, #tpu.memory_space<vmem>> -> memref<128x32xf32, #tpu.memory_space<vmem>>
    %dma_start3A_73 = arith.constant 1024 : i32
    %dma_start3A_74 = tpu.memref_slice %arg5[%dma_start3A_73] : memref<1280xi32, #tpu.memory_space<vmem>> -> memref<128xi32, #tpu.memory_space<vmem>>
    %dma_start3A_75 = arith.constant 0 : i32
    %dma_start3A_76 = arith.constant 0 : i32
    %dma_start3A_77 = tpu.memref_slice %arg2[%dma_start3A_75, %dma_start3A_76] : memref<1000000x32xf32, #tpu.memory_space<hbm>> -> memref<1000000x32xf32, #tpu.memory_space<hbm>>
    tpu.enqueue_indirect_dma source(%dma_start3A_77 : memref<1000000x32xf32, #tpu.memory_space<hbm>>) target(%dma_start3A_72 : memref<128x32xf32, #tpu.memory_space<vmem>>) offsets(%dma_start3A_74 : memref<128xi32, #tpu.memory_space<vmem>>) semaphore(%arg11 : memref<!tpu.dma_semaphore, #tpu.memory_space<semaphore_mem>>)
    %dma_start3A_78 = arith.constant 1152 : i32
    %dma_start3A_79 = arith.constant 0 : i32
    %dma_start3A_80 = tpu.memref_slice %arg7[%dma_start3A_78, %dma_start3A_79] : memref<1280x32xf32, #tpu.memory_space<vmem>> -> memref<128x32xf32, #tpu.memory_space<vmem>>
    %dma_start3A_81 = arith.constant 1152 : i32
    %dma_start3A_82 = tpu.memref_slice %arg5[%dma_start3A_81] : memref<1280xi32, #tpu.memory_space<vmem>> -> memref<128xi32, #tpu.memory_space<vmem>>
    %dma_start3A_83 = arith.constant 0 : i32
    %dma_start3A_84 = arith.constant 0 : i32
    %dma_start3A_85 = tpu.memref_slice %arg2[%dma_start3A_83, %dma_start3A_84] : memref<1000000x32xf32, #tpu.memory_space<hbm>> -> memref<1000000x32xf32, #tpu.memory_space<hbm>>
    tpu.enqueue_indirect_dma source(%dma_start3A_85 : memref<1000000x32xf32, #tpu.memory_space<hbm>>) target(%dma_start3A_80 : memref<128x32xf32, #tpu.memory_space<vmem>>) offsets(%dma_start3A_82 : memref<128xi32, #tpu.memory_space<vmem>>) semaphore(%arg11 : memref<!tpu.dma_semaphore, #tpu.memory_space<semaphore_mem>>)
    %scan3A = arith.constant 0 : i32
    %scan3A_86 = arith.constant 26 : i32
    %scan3A_87 = arith.addi %scan3A, %scan3A_86 : i32
    %scan3A_88 = arith.constant 1 : i32
    scf.for %scan3A_90 = %scan3A to %scan3A_87 step %scan3A_88  : i32 {
      %mul3A_91 = arith.constant 2 : i32
      %mul3A_92 = arith.muli %scan3A_90, %mul3A_91 : i32
      %add3A_93 = arith.constant 0 : i32
      %add3A_94 = arith.addi %add3A_93, %mul3A_92 : i32
      %add3A_95 = arith.constant 0 : i32
      %add3A_96 = arith.addi %add3A_94, %add3A_95 : i32
      %add3A_97 = arith.constant 1 : i32
      %add3A_98 = arith.addi %add3A_96, %add3A_97 : i32
      %lt3A = arith.constant 52 : i32
      %lt3A_99 = arith.cmpi slt, %add3A_98, %lt3A : i32
      %convert_element_type3A = arith.extui %lt3A_99 : i1 to i32
      %cond3A = arith.constant 0 : i32
      %cond3A_100 = arith.cmpi ne, %convert_element_type3A, %cond3A : i32
      scf.if %cond3A_100 {
        %mul3A_285 = arith.constant 1280 : i32
        %mul3A_286 = arith.muli %add3A_98, %mul3A_285 : i32
        %add3A_287 = arith.addi %mul3A_4, %mul3A_286 : i32
        "tpu.region"() ({
          %run_scoped3A = tpu.sem_alloc : memref<!tpu.dma_semaphore, #tpu.memory_space<semaphore_mem>>
          %dma_start3A_368 = tpu.memref_slice %arg3[%add3A_287] : memref<2129920xi32, #tpu.memory_space<hbm>> -> memref<1280xi32, #tpu.memory_space<hbm>>
          %dma_start3A_369 = tpu.memref_slice %arg3[%add3A_287] : memref<2129920xi32, #tpu.memory_space<hbm>> -> memref<1280xi32, #tpu.memory_space<hbm>>
          tpu.enqueue_dma source(%dma_start3A_369 : memref<1280xi32, #tpu.memory_space<hbm>>) target(%arg6 : memref<1280xi32, #tpu.memory_space<vmem>>) target_semaphore(%run_scoped3A : memref<!tpu.dma_semaphore, #tpu.memory_space<semaphore_mem>>)
          %dma_wait3A_370 = tpu.memref_slice %arg3[%add3A_287] : memref<2129920xi32, #tpu.memory_space<hbm>> -> memref<1280xi32, #tpu.memory_space<hbm>>
          %dma_wait3A_371 = tpu.memref_slice %arg3[%add3A_287] : memref<2129920xi32, #tpu.memory_space<hbm>> -> memref<1280xi32, #tpu.memory_space<hbm>>
          tpu.wait_dma2 semaphore(%run_scoped3A : memref<!tpu.dma_semaphore, #tpu.memory_space<semaphore_mem>>) src(%dma_wait3A_371 : memref<1280xi32, #tpu.memory_space<hbm>>) dst(%arg6 : memref<1280xi32, #tpu.memory_space<vmem>>)
          tpu.yield
        }) : () -> ()
        %dma_start3A_288 = arith.constant 0 : i32
        %dma_start3A_289 = arith.constant 0 : i32
        %dma_start3A_290 = tpu.memref_slice %arg8[%dma_start3A_288, %dma_start3A_289] : memref<1280x32xf32, #tpu.memory_space<vmem>> -> memref<128x32xf32, #tpu.memory_space<vmem>>
        %dma_start3A_291 = arith.constant 0 : i32
        %dma_start3A_292 = tpu.memref_slice %arg6[%dma_start3A_291] : memref<1280xi32, #tpu.memory_space<vmem>> -> memref<128xi32, #tpu.memory_space<vmem>>
        %dma_start3A_293 = arith.constant 0 : i32
        %dma_start3A_294 = arith.constant 0 : i32
        %dma_start3A_295 = tpu.memref_slice %arg2[%dma_start3A_293, %dma_start3A_294] : memref<1000000x32xf32, #tpu.memory_space<hbm>> -> memref<1000000x32xf32, #tpu.memory_space<hbm>>
        tpu.enqueue_indirect_dma source(%dma_start3A_295 : memref<1000000x32xf32, #tpu.memory_space<hbm>>) target(%dma_start3A_290 : memref<128x32xf32, #tpu.memory_space<vmem>>) offsets(%dma_start3A_292 : memref<128xi32, #tpu.memory_space<vmem>>) semaphore(%arg12 : memref<!tpu.dma_semaphore, #tpu.memory_space<semaphore_mem>>)
        %dma_start3A_296 = arith.constant 128 : i32
        %dma_start3A_297 = arith.constant 0 : i32
        %dma_start3A_298 = tpu.memref_slice %arg8[%dma_start3A_296, %dma_start3A_297] : memref<1280x32xf32, #tpu.memory_space<vmem>> -> memref<128x32xf32, #tpu.memory_space<vmem>>
        %dma_start3A_299 = arith.constant 128 : i32
        %dma_start3A_300 = tpu.memref_slice %arg6[%dma_start3A_299] : memref<1280xi32, #tpu.memory_space<vmem>> -> memref<128xi32, #tpu.memory_space<vmem>>
        %dma_start3A_301 = arith.constant 0 : i32
        %dma_start3A_302 = arith.constant 0 : i32
        %dma_start3A_303 = tpu.memref_slice %arg2[%dma_start3A_301, %dma_start3A_302] : memref<1000000x32xf32, #tpu.memory_space<hbm>> -> memref<1000000x32xf32, #tpu.memory_space<hbm>>
        tpu.enqueue_indirect_dma source(%dma_start3A_303 : memref<1000000x32xf32, #tpu.memory_space<hbm>>) target(%dma_start3A_298 : memref<128x32xf32, #tpu.memory_space<vmem>>) offsets(%dma_start3A_300 : memref<128xi32, #tpu.memory_space<vmem>>) semaphore(%arg12 : memref<!tpu.dma_semaphore, #tpu.memory_space<semaphore_mem>>)
        %dma_start3A_304 = arith.constant 256 : i32
        %dma_start3A_305 = arith.constant 0 : i32
        %dma_start3A_306 = tpu.memref_slice %arg8[%dma_start3A_304, %dma_start3A_305] : memref<1280x32xf32, #tpu.memory_space<vmem>> -> memref<128x32xf32, #tpu.memory_space<vmem>>
        %dma_start3A_307 = arith.constant 256 : i32
        %dma_start3A_308 = tpu.memref_slice %arg6[%dma_start3A_307] : memref<1280xi32, #tpu.memory_space<vmem>> -> memref<128xi32, #tpu.memory_space<vmem>>
        %dma_start3A_309 = arith.constant 0 : i32
        %dma_start3A_310 = arith.constant 0 : i32
        %dma_start3A_311 = tpu.memref_slice %arg2[%dma_start3A_309, %dma_start3A_310] : memref<1000000x32xf32, #tpu.memory_space<hbm>> -> memref<1000000x32xf32, #tpu.memory_space<hbm>>
        tpu.enqueue_indirect_dma source(%dma_start3A_311 : memref<1000000x32xf32, #tpu.memory_space<hbm>>) target(%dma_start3A_306 : memref<128x32xf32, #tpu.memory_space<vmem>>) offsets(%dma_start3A_308 : memref<128xi32, #tpu.memory_space<vmem>>) semaphore(%arg12 : memref<!tpu.dma_semaphore, #tpu.memory_space<semaphore_mem>>)
        %dma_start3A_312 = arith.constant 384 : i32
        %dma_start3A_313 = arith.constant 0 : i32
        %dma_start3A_314 = tpu.memref_slice %arg8[%dma_start3A_312, %dma_start3A_313] : memref<1280x32xf32, #tpu.memory_space<vmem>> -> memref<128x32xf32, #tpu.memory_space<vmem>>
        %dma_start3A_315 = arith.constant 384 : i32
        %dma_start3A_316 = tpu.memref_slice %arg6[%dma_start3A_315] : memref<1280xi32, #tpu.memory_space<vmem>> -> memref<128xi32, #tpu.memory_space<vmem>>
        %dma_start3A_317 = arith.constant 0 : i32
        %dma_start3A_318 = arith.constant 0 : i32
        %dma_start3A_319 = tpu.memref_slice %arg2[%dma_start3A_317, %dma_start3A_318] : memref<1000000x32xf32, #tpu.memory_space<hbm>> -> memref<1000000x32xf32, #tpu.memory_space<hbm>>
        tpu.enqueue_indirect_dma source(%dma_start3A_319 : memref<1000000x32xf32, #tpu.memory_space<hbm>>) target(%dma_start3A_314 : memref<128x32xf32, #tpu.memory_space<vmem>>) offsets(%dma_start3A_316 : memref<128xi32, #tpu.memory_space<vmem>>) semaphore(%arg12 : memref<!tpu.dma_semaphore, #tpu.memory_space<semaphore_mem>>)
        %dma_start3A_320 = arith.constant 512 : i32
        %dma_start3A_321 = arith.constant 0 : i32
        %dma_start3A_322 = tpu.memref_slice %arg8[%dma_start3A_320, %dma_start3A_321] : memref<1280x32xf32, #tpu.memory_space<vmem>> -> memref<128x32xf32, #tpu.memory_space<vmem>>
        %dma_start3A_323 = arith.constant 512 : i32
        %dma_start3A_324 = tpu.memref_slice %arg6[%dma_start3A_323] : memref<1280xi32, #tpu.memory_space<vmem>> -> memref<128xi32, #tpu.memory_space<vmem>>
        %dma_start3A_325 = arith.constant 0 : i32
        %dma_start3A_326 = arith.constant 0 : i32
        %dma_start3A_327 = tpu.memref_slice %arg2[%dma_start3A_325, %dma_start3A_326] : memref<1000000x32xf32, #tpu.memory_space<hbm>> -> memref<1000000x32xf32, #tpu.memory_space<hbm>>
        tpu.enqueue_indirect_dma source(%dma_start3A_327 : memref<1000000x32xf32, #tpu.memory_space<hbm>>) target(%dma_start3A_322 : memref<128x32xf32, #tpu.memory_space<vmem>>) offsets(%dma_start3A_324 : memref<128xi32, #tpu.memory_space<vmem>>) semaphore(%arg12 : memref<!tpu.dma_semaphore, #tpu.memory_space<semaphore_mem>>)
        %dma_start3A_328 = arith.constant 640 : i32
        %dma_start3A_329 = arith.constant 0 : i32
        %dma_start3A_330 = tpu.memref_slice %arg8[%dma_start3A_328, %dma_start3A_329] : memref<1280x32xf32, #tpu.memory_space<vmem>> -> memref<128x32xf32, #tpu.memory_space<vmem>>
        %dma_start3A_331 = arith.constant 640 : i32
        %dma_start3A_332 = tpu.memref_slice %arg6[%dma_start3A_331] : memref<1280xi32, #tpu.memory_space<vmem>> -> memref<128xi32, #tpu.memory_space<vmem>>
        %dma_start3A_333 = arith.constant 0 : i32
        %dma_start3A_334 = arith.constant 0 : i32
        %dma_start3A_335 = tpu.memref_slice %arg2[%dma_start3A_333, %dma_start3A_334] : memref<1000000x32xf32, #tpu.memory_space<hbm>> -> memref<1000000x32xf32, #tpu.memory_space<hbm>>
        tpu.enqueue_indirect_dma source(%dma_start3A_335 : memref<1000000x32xf32, #tpu.memory_space<hbm>>) target(%dma_start3A_330 : memref<128x32xf32, #tpu.memory_space<vmem>>) offsets(%dma_start3A_332 : memref<128xi32, #tpu.memory_space<vmem>>) semaphore(%arg12 : memref<!tpu.dma_semaphore, #tpu.memory_space<semaphore_mem>>)
        %dma_start3A_336 = arith.constant 768 : i32
        %dma_start3A_337 = arith.constant 0 : i32
        %dma_start3A_338 = tpu.memref_slice %arg8[%dma_start3A_336, %dma_start3A_337] : memref<1280x32xf32, #tpu.memory_space<vmem>> -> memref<128x32xf32, #tpu.memory_space<vmem>>
        %dma_start3A_339 = arith.constant 768 : i32
        %dma_start3A_340 = tpu.memref_slice %arg6[%dma_start3A_339] : memref<1280xi32, #tpu.memory_space<vmem>> -> memref<128xi32, #tpu.memory_space<vmem>>
        %dma_start3A_341 = arith.constant 0 : i32
        %dma_start3A_342 = arith.constant 0 : i32
        %dma_start3A_343 = tpu.memref_slice %arg2[%dma_start3A_341, %dma_start3A_342] : memref<1000000x32xf32, #tpu.memory_space<hbm>> -> memref<1000000x32xf32, #tpu.memory_space<hbm>>
        tpu.enqueue_indirect_dma source(%dma_start3A_343 : memref<1000000x32xf32, #tpu.memory_space<hbm>>) target(%dma_start3A_338 : memref<128x32xf32, #tpu.memory_space<vmem>>) offsets(%dma_start3A_340 : memref<128xi32, #tpu.memory_space<vmem>>) semaphore(%arg12 : memref<!tpu.dma_semaphore, #tpu.memory_space<semaphore_mem>>)
        %dma_start3A_344 = arith.constant 896 : i32
        %dma_start3A_345 = arith.constant 0 : i32
        %dma_start3A_346 = tpu.memref_slice %arg8[%dma_start3A_344, %dma_start3A_345] : memref<1280x32xf32, #tpu.memory_space<vmem>> -> memref<128x32xf32, #tpu.memory_space<vmem>>
        %dma_start3A_347 = arith.constant 896 : i32
        %dma_start3A_348 = tpu.memref_slice %arg6[%dma_start3A_347] : memref<1280xi32, #tpu.memory_space<vmem>> -> memref<128xi32, #tpu.memory_space<vmem>>
        %dma_start3A_349 = arith.constant 0 : i32
        %dma_start3A_350 = arith.constant 0 : i32
        %dma_start3A_351 = tpu.memref_slice %arg2[%dma_start3A_349, %dma_start3A_350] : memref<1000000x32xf32, #tpu.memory_space<hbm>> -> memref<1000000x32xf32, #tpu.memory_space<hbm>>
        tpu.enqueue_indirect_dma source(%dma_start3A_351 : memref<1000000x32xf32, #tpu.memory_space<hbm>>) target(%dma_start3A_346 : memref<128x32xf32, #tpu.memory_space<vmem>>) offsets(%dma_start3A_348 : memref<128xi32, #tpu.memory_space<vmem>>) semaphore(%arg12 : memref<!tpu.dma_semaphore, #tpu.memory_space<semaphore_mem>>)
        %dma_start3A_352 = arith.constant 1024 : i32
        %dma_start3A_353 = arith.constant 0 : i32
        %dma_start3A_354 = tpu.memref_slice %arg8[%dma_start3A_352, %dma_start3A_353] : memref<1280x32xf32, #tpu.memory_space<vmem>> -> memref<128x32xf32, #tpu.memory_space<vmem>>
        %dma_start3A_355 = arith.constant 1024 : i32
        %dma_start3A_356 = tpu.memref_slice %arg6[%dma_start3A_355] : memref<1280xi32, #tpu.memory_space<vmem>> -> memref<128xi32, #tpu.memory_space<vmem>>
        %dma_start3A_357 = arith.constant 0 : i32
        %dma_start3A_358 = arith.constant 0 : i32
        %dma_start3A_359 = tpu.memref_slice %arg2[%dma_start3A_357, %dma_start3A_358] : memref<1000000x32xf32, #tpu.memory_space<hbm>> -> memref<1000000x32xf32, #tpu.memory_space<hbm>>
        tpu.enqueue_indirect_dma source(%dma_start3A_359 : memref<1000000x32xf32, #tpu.memory_space<hbm>>) target(%dma_start3A_354 : memref<128x32xf32, #tpu.memory_space<vmem>>) offsets(%dma_start3A_356 : memref<128xi32, #tpu.memory_space<vmem>>) semaphore(%arg12 : memref<!tpu.dma_semaphore, #tpu.memory_space<semaphore_mem>>)
        %dma_start3A_360 = arith.constant 1152 : i32
        %dma_start3A_361 = arith.constant 0 : i32
        %dma_start3A_362 = tpu.memref_slice %arg8[%dma_start3A_360, %dma_start3A_361] : memref<1280x32xf32, #tpu.memory_space<vmem>> -> memref<128x32xf32, #tpu.memory_space<vmem>>
        %dma_start3A_363 = arith.constant 1152 : i32
        %dma_start3A_364 = tpu.memref_slice %arg6[%dma_start3A_363] : memref<1280xi32, #tpu.memory_space<vmem>> -> memref<128xi32, #tpu.memory_space<vmem>>
        %dma_start3A_365 = arith.constant 0 : i32
        %dma_start3A_366 = arith.constant 0 : i32
        %dma_start3A_367 = tpu.memref_slice %arg2[%dma_start3A_365, %dma_start3A_366] : memref<1000000x32xf32, #tpu.memory_space<hbm>> -> memref<1000000x32xf32, #tpu.memory_space<hbm>>
        tpu.enqueue_indirect_dma source(%dma_start3A_367 : memref<1000000x32xf32, #tpu.memory_space<hbm>>) target(%dma_start3A_362 : memref<128x32xf32, #tpu.memory_space<vmem>>) offsets(%dma_start3A_364 : memref<128xi32, #tpu.memory_space<vmem>>) semaphore(%arg12 : memref<!tpu.dma_semaphore, #tpu.memory_space<semaphore_mem>>)
      } else {
      }
      %dma_wait3A = arith.constant 0 : i32
      %dma_wait3A_101 = arith.constant 0 : i32
      %dma_wait3A_102 = tpu.memref_slice %arg7[%dma_wait3A, %dma_wait3A_101] : memref<1280x32xf32, #tpu.memory_space<vmem>> -> memref<128x32xf32, #tpu.memory_space<vmem>>
      %dma_wait3A_103 = arith.constant 0 : i32
      %dma_wait3A_104 = tpu.memref_slice %arg5[%dma_wait3A_103] : memref<1280xi32, #tpu.memory_space<vmem>> -> memref<128xi32, #tpu.memory_space<vmem>>
      %dma_wait3A_105 = arith.constant 0 : i32
      %dma_wait3A_106 = arith.constant 0 : i32
      %dma_wait3A_107 = tpu.memref_slice %arg2[%dma_wait3A_105, %dma_wait3A_106] : memref<1000000x32xf32, #tpu.memory_space<hbm>> -> memref<1000000x32xf32, #tpu.memory_space<hbm>>
      tpu.wait_indirect_dma semaphore(%arg11 : memref<!tpu.dma_semaphore, #tpu.memory_space<semaphore_mem>>) src(%dma_wait3A_107 : memref<1000000x32xf32, #tpu.memory_space<hbm>>) dst(%dma_wait3A_102 : memref<128x32xf32, #tpu.memory_space<vmem>>)
      %dma_wait3A_108 = arith.constant 128 : i32
      %dma_wait3A_109 = arith.constant 0 : i32
      %dma_wait3A_110 = tpu.memref_slice %arg7[%dma_wait3A_108, %dma_wait3A_109] : memref<1280x32xf32, #tpu.memory_space<vmem>> -> memref<128x32xf32, #tpu.memory_space<vmem>>
      %dma_wait3A_111 = arith.constant 128 : i32
      %dma_wait3A_112 = tpu.memref_slice %arg5[%dma_wait3A_111] : memref<1280xi32, #tpu.memory_space<vmem>> -> memref<128xi32, #tpu.memory_space<vmem>>
      %dma_wait3A_113 = arith.constant 0 : i32
      %dma_wait3A_114 = arith.constant 0 : i32
      %dma_wait3A_115 = tpu.memref_slice %arg2[%dma_wait3A_113, %dma_wait3A_114] : memref<1000000x32xf32, #tpu.memory_space<hbm>> -> memref<1000000x32xf32, #tpu.memory_space<hbm>>
      tpu.wait_indirect_dma semaphore(%arg11 : memref<!tpu.dma_semaphore, #tpu.memory_space<semaphore_mem>>) src(%dma_wait3A_115 : memref<1000000x32xf32, #tpu.memory_space<hbm>>) dst(%dma_wait3A_110 : memref<128x32xf32, #tpu.memory_space<vmem>>)
      %dma_wait3A_116 = arith.constant 256 : i32
      %dma_wait3A_117 = arith.constant 0 : i32
      %dma_wait3A_118 = tpu.memref_slice %arg7[%dma_wait3A_116, %dma_wait3A_117] : memref<1280x32xf32, #tpu.memory_space<vmem>> -> memref<128x32xf32, #tpu.memory_space<vmem>>
      %dma_wait3A_119 = arith.constant 256 : i32
      %dma_wait3A_120 = tpu.memref_slice %arg5[%dma_wait3A_119] : memref<1280xi32, #tpu.memory_space<vmem>> -> memref<128xi32, #tpu.memory_space<vmem>>
      %dma_wait3A_121 = arith.constant 0 : i32
      %dma_wait3A_122 = arith.constant 0 : i32
      %dma_wait3A_123 = tpu.memref_slice %arg2[%dma_wait3A_121, %dma_wait3A_122] : memref<1000000x32xf32, #tpu.memory_space<hbm>> -> memref<1000000x32xf32, #tpu.memory_space<hbm>>
      tpu.wait_indirect_dma semaphore(%arg11 : memref<!tpu.dma_semaphore, #tpu.memory_space<semaphore_mem>>) src(%dma_wait3A_123 : memref<1000000x32xf32, #tpu.memory_space<hbm>>) dst(%dma_wait3A_118 : memref<128x32xf32, #tpu.memory_space<vmem>>)
      %dma_wait3A_124 = arith.constant 384 : i32
      %dma_wait3A_125 = arith.constant 0 : i32
      %dma_wait3A_126 = tpu.memref_slice %arg7[%dma_wait3A_124, %dma_wait3A_125] : memref<1280x32xf32, #tpu.memory_space<vmem>> -> memref<128x32xf32, #tpu.memory_space<vmem>>
      %dma_wait3A_127 = arith.constant 384 : i32
      %dma_wait3A_128 = tpu.memref_slice %arg5[%dma_wait3A_127] : memref<1280xi32, #tpu.memory_space<vmem>> -> memref<128xi32, #tpu.memory_space<vmem>>
      %dma_wait3A_129 = arith.constant 0 : i32
      %dma_wait3A_130 = arith.constant 0 : i32
      %dma_wait3A_131 = tpu.memref_slice %arg2[%dma_wait3A_129, %dma_wait3A_130] : memref<1000000x32xf32, #tpu.memory_space<hbm>> -> memref<1000000x32xf32, #tpu.memory_space<hbm>>
      tpu.wait_indirect_dma semaphore(%arg11 : memref<!tpu.dma_semaphore, #tpu.memory_space<semaphore_mem>>) src(%dma_wait3A_131 : memref<1000000x32xf32, #tpu.memory_space<hbm>>) dst(%dma_wait3A_126 : memref<128x32xf32, #tpu.memory_space<vmem>>)
      %dma_wait3A_132 = arith.constant 512 : i32
      %dma_wait3A_133 = arith.constant 0 : i32
      %dma_wait3A_134 = tpu.memref_slice %arg7[%dma_wait3A_132, %dma_wait3A_133] : memref<1280x32xf32, #tpu.memory_space<vmem>> -> memref<128x32xf32, #tpu.memory_space<vmem>>
      %dma_wait3A_135 = arith.constant 512 : i32
      %dma_wait3A_136 = tpu.memref_slice %arg5[%dma_wait3A_135] : memref<1280xi32, #tpu.memory_space<vmem>> -> memref<128xi32, #tpu.memory_space<vmem>>
      %dma_wait3A_137 = arith.constant 0 : i32
      %dma_wait3A_138 = arith.constant 0 : i32
      %dma_wait3A_139 = tpu.memref_slice %arg2[%dma_wait3A_137, %dma_wait3A_138] : memref<1000000x32xf32, #tpu.memory_space<hbm>> -> memref<1000000x32xf32, #tpu.memory_space<hbm>>
      tpu.wait_indirect_dma semaphore(%arg11 : memref<!tpu.dma_semaphore, #tpu.memory_space<semaphore_mem>>) src(%dma_wait3A_139 : memref<1000000x32xf32, #tpu.memory_space<hbm>>) dst(%dma_wait3A_134 : memref<128x32xf32, #tpu.memory_space<vmem>>)
      %dma_wait3A_140 = arith.constant 640 : i32
      %dma_wait3A_141 = arith.constant 0 : i32
      %dma_wait3A_142 = tpu.memref_slice %arg7[%dma_wait3A_140, %dma_wait3A_141] : memref<1280x32xf32, #tpu.memory_space<vmem>> -> memref<128x32xf32, #tpu.memory_space<vmem>>
      %dma_wait3A_143 = arith.constant 640 : i32
      %dma_wait3A_144 = tpu.memref_slice %arg5[%dma_wait3A_143] : memref<1280xi32, #tpu.memory_space<vmem>> -> memref<128xi32, #tpu.memory_space<vmem>>
      %dma_wait3A_145 = arith.constant 0 : i32
      %dma_wait3A_146 = arith.constant 0 : i32
      %dma_wait3A_147 = tpu.memref_slice %arg2[%dma_wait3A_145, %dma_wait3A_146] : memref<1000000x32xf32, #tpu.memory_space<hbm>> -> memref<1000000x32xf32, #tpu.memory_space<hbm>>
      tpu.wait_indirect_dma semaphore(%arg11 : memref<!tpu.dma_semaphore, #tpu.memory_space<semaphore_mem>>) src(%dma_wait3A_147 : memref<1000000x32xf32, #tpu.memory_space<hbm>>) dst(%dma_wait3A_142 : memref<128x32xf32, #tpu.memory_space<vmem>>)
      %dma_wait3A_148 = arith.constant 768 : i32
      %dma_wait3A_149 = arith.constant 0 : i32
      %dma_wait3A_150 = tpu.memref_slice %arg7[%dma_wait3A_148, %dma_wait3A_149] : memref<1280x32xf32, #tpu.memory_space<vmem>> -> memref<128x32xf32, #tpu.memory_space<vmem>>
      %dma_wait3A_151 = arith.constant 768 : i32
      %dma_wait3A_152 = tpu.memref_slice %arg5[%dma_wait3A_151] : memref<1280xi32, #tpu.memory_space<vmem>> -> memref<128xi32, #tpu.memory_space<vmem>>
      %dma_wait3A_153 = arith.constant 0 : i32
      %dma_wait3A_154 = arith.constant 0 : i32
      %dma_wait3A_155 = tpu.memref_slice %arg2[%dma_wait3A_153, %dma_wait3A_154] : memref<1000000x32xf32, #tpu.memory_space<hbm>> -> memref<1000000x32xf32, #tpu.memory_space<hbm>>
      tpu.wait_indirect_dma semaphore(%arg11 : memref<!tpu.dma_semaphore, #tpu.memory_space<semaphore_mem>>) src(%dma_wait3A_155 : memref<1000000x32xf32, #tpu.memory_space<hbm>>) dst(%dma_wait3A_150 : memref<128x32xf32, #tpu.memory_space<vmem>>)
      %dma_wait3A_156 = arith.constant 896 : i32
      %dma_wait3A_157 = arith.constant 0 : i32
      %dma_wait3A_158 = tpu.memref_slice %arg7[%dma_wait3A_156, %dma_wait3A_157] : memref<1280x32xf32, #tpu.memory_space<vmem>> -> memref<128x32xf32, #tpu.memory_space<vmem>>
      %dma_wait3A_159 = arith.constant 896 : i32
      %dma_wait3A_160 = tpu.memref_slice %arg5[%dma_wait3A_159] : memref<1280xi32, #tpu.memory_space<vmem>> -> memref<128xi32, #tpu.memory_space<vmem>>
      %dma_wait3A_161 = arith.constant 0 : i32
      %dma_wait3A_162 = arith.constant 0 : i32
      %dma_wait3A_163 = tpu.memref_slice %arg2[%dma_wait3A_161, %dma_wait3A_162] : memref<1000000x32xf32, #tpu.memory_space<hbm>> -> memref<1000000x32xf32, #tpu.memory_space<hbm>>
      tpu.wait_indirect_dma semaphore(%arg11 : memref<!tpu.dma_semaphore, #tpu.memory_space<semaphore_mem>>) src(%dma_wait3A_163 : memref<1000000x32xf32, #tpu.memory_space<hbm>>) dst(%dma_wait3A_158 : memref<128x32xf32, #tpu.memory_space<vmem>>)
      %dma_wait3A_164 = arith.constant 1024 : i32
      %dma_wait3A_165 = arith.constant 0 : i32
      %dma_wait3A_166 = tpu.memref_slice %arg7[%dma_wait3A_164, %dma_wait3A_165] : memref<1280x32xf32, #tpu.memory_space<vmem>> -> memref<128x32xf32, #tpu.memory_space<vmem>>
      %dma_wait3A_167 = arith.constant 1024 : i32
      %dma_wait3A_168 = tpu.memref_slice %arg5[%dma_wait3A_167] : memref<1280xi32, #tpu.memory_space<vmem>> -> memref<128xi32, #tpu.memory_space<vmem>>
      %dma_wait3A_169 = arith.constant 0 : i32
      %dma_wait3A_170 = arith.constant 0 : i32
      %dma_wait3A_171 = tpu.memref_slice %arg2[%dma_wait3A_169, %dma_wait3A_170] : memref<1000000x32xf32, #tpu.memory_space<hbm>> -> memref<1000000x32xf32, #tpu.memory_space<hbm>>
      tpu.wait_indirect_dma semaphore(%arg11 : memref<!tpu.dma_semaphore, #tpu.memory_space<semaphore_mem>>) src(%dma_wait3A_171 : memref<1000000x32xf32, #tpu.memory_space<hbm>>) dst(%dma_wait3A_166 : memref<128x32xf32, #tpu.memory_space<vmem>>)
      %dma_wait3A_172 = arith.constant 1152 : i32
      %dma_wait3A_173 = arith.constant 0 : i32
      %dma_wait3A_174 = tpu.memref_slice %arg7[%dma_wait3A_172, %dma_wait3A_173] : memref<1280x32xf32, #tpu.memory_space<vmem>> -> memref<128x32xf32, #tpu.memory_space<vmem>>
      %dma_wait3A_175 = arith.constant 1152 : i32
      %dma_wait3A_176 = tpu.memref_slice %arg5[%dma_wait3A_175] : memref<1280xi32, #tpu.memory_space<vmem>> -> memref<128xi32, #tpu.memory_space<vmem>>
      %dma_wait3A_177 = arith.constant 0 : i32
      %dma_wait3A_178 = arith.constant 0 : i32
      %dma_wait3A_179 = tpu.memref_slice %arg2[%dma_wait3A_177, %dma_wait3A_178] : memref<1000000x32xf32, #tpu.memory_space<hbm>> -> memref<1000000x32xf32, #tpu.memory_space<hbm>>
      tpu.wait_indirect_dma semaphore(%arg11 : memref<!tpu.dma_semaphore, #tpu.memory_space<semaphore_mem>>) src(%dma_wait3A_179 : memref<1000000x32xf32, #tpu.memory_space<hbm>>) dst(%dma_wait3A_174 : memref<128x32xf32, #tpu.memory_space<vmem>>)
      %scan3A_180 = arith.constant 0 : i32
      %scan3A_181 = arith.constant 64 : i32
      %scan3A_182 = arith.addi %scan3A_180, %scan3A_181 : i32
      %scan3A_183 = arith.constant 1 : i32
      scf.for %scan3A_285 = %scan3A_180 to %scan3A_182 step %scan3A_183  : i32 {
        %mul3A_286 = arith.constant 1 : i32
        %mul3A_287 = arith.muli %scan3A_285, %mul3A_286 : i32
        %add3A_288 = arith.constant 0 : i32
        %add3A_289 = arith.addi %add3A_288, %mul3A_287 : i32
        %mul3A_290 = arith.constant 20 : i32
        %mul3A_291 = arith.muli %add3A_289, %mul3A_290 : i32
        %get3A = arith.index_cast %mul3A_291 : i32 to index
        %get3A_292 = arith.constant 0 : index
        %get3A_293 = tpu.vector_load %arg7[%get3A, %get3A_292] {strides = array<i32>} : memref<1280x32xf32, #tpu.memory_space<vmem>>, vector<1x16xf32>,
        %get3A_294 = vector.shape_cast %get3A_293 : vector<1x16xf32> to vector<16xf32>
        %get3A_295 = arith.index_cast %mul3A_291 : i32 to index
        %get3A_296 = arith.constant 16 : index
        %get3A_297 = tpu.vector_load %arg7[%get3A_295, %get3A_296] {strides = array<i32>} : memref<1280x32xf32, #tpu.memory_space<vmem>>, vector<1x16xf32>,
        %get3A_298 = vector.shape_cast %get3A_297 : vector<1x16xf32> to vector<16xf32>
        %add3A_299 = arith.constant 1 : i32
        %add3A_300 = arith.addi %mul3A_291, %add3A_299 : i32
        %get3A_301 = arith.index_cast %add3A_300 : i32 to index
        %get3A_302 = arith.constant 0 : index
        %get3A_303 = tpu.vector_load %arg7[%get3A_301, %get3A_302] {strides = array<i32>} : memref<1280x32xf32, #tpu.memory_space<vmem>>, vector<1x16xf32>,
        %get3A_304 = vector.shape_cast %get3A_303 : vector<1x16xf32> to vector<16xf32>
        %add3A_305 = arith.addf %get3A_294, %get3A_304 : vector<16xf32>
        %add3A_306 = arith.constant 1 : i32
        %add3A_307 = arith.addi %mul3A_291, %add3A_306 : i32
        %get3A_308 = arith.index_cast %add3A_307 : i32 to index
        %get3A_309 = arith.constant 16 : index
        %get3A_310 = tpu.vector_load %arg7[%get3A_308, %get3A_309] {strides = array<i32>} : memref<1280x32xf32, #tpu.memory_space<vmem>>, vector<1x16xf32>,
        %get3A_311 = vector.shape_cast %get3A_310 : vector<1x16xf32> to vector<16xf32>
        %add3A_312 = arith.addf %get3A_298, %get3A_311 : vector<16xf32>
        %add3A_313 = arith.constant 2 : i32
        %add3A_314 = arith.addi %mul3A_291, %add3A_313 : i32
        %get3A_315 = arith.index_cast %add3A_314 : i32 to index
        %get3A_316 = arith.constant 0 : index
        %get3A_317 = tpu.vector_load %arg7[%get3A_315, %get3A_316] {strides = array<i32>} : memref<1280x32xf32, #tpu.memory_space<vmem>>, vector<1x16xf32>,
        %get3A_318 = vector.shape_cast %get3A_317 : vector<1x16xf32> to vector<16xf32>
        %add3A_319 = arith.addf %add3A_305, %get3A_318 : vector<16xf32>
        %add3A_320 = arith.constant 2 : i32
        %add3A_321 = arith.addi %mul3A_291, %add3A_320 : i32
        %get3A_322 = arith.index_cast %add3A_321 : i32 to index
        %get3A_323 = arith.constant 16 : index
        %get3A_324 = tpu.vector_load %arg7[%get3A_322, %get3A_323] {strides = array<i32>} : memref<1280x32xf32, #tpu.memory_space<vmem>>, vector<1x16xf32>,
        %get3A_325 = vector.shape_cast %get3A_324 : vector<1x16xf32> to vector<16xf32>
        %add3A_326 = arith.addf %add3A_312, %get3A_325 : vector<16xf32>
        %add3A_327 = arith.constant 3 : i32
        %add3A_328 = arith.addi %mul3A_291, %add3A_327 : i32
        %get3A_329 = arith.index_cast %add3A_328 : i32 to index
        %get3A_330 = arith.constant 0 : index
        %get3A_331 = tpu.vector_load %arg7[%get3A_329, %get3A_330] {strides = array<i32>} : memref<1280x32xf32, #tpu.memory_space<vmem>>, vector<1x16xf32>,
        %get3A_332 = vector.shape_cast %get3A_331 : vector<1x16xf32> to vector<16xf32>
        %add3A_333 = arith.addf %add3A_319, %get3A_332 : vector<16xf32>
        %add3A_334 = arith.constant 3 : i32
        %add3A_335 = arith.addi %mul3A_291, %add3A_334 : i32
        %get3A_336 = arith.index_cast %add3A_335 : i32 to index
        %get3A_337 = arith.constant 16 : index
        %get3A_338 = tpu.vector_load %arg7[%get3A_336, %get3A_337] {strides = array<i32>} : memref<1280x32xf32, #tpu.memory_space<vmem>>, vector<1x16xf32>,
        %get3A_339 = vector.shape_cast %get3A_338 : vector<1x16xf32> to vector<16xf32>
        %add3A_340 = arith.addf %add3A_326, %get3A_339 : vector<16xf32>
        %add3A_341 = arith.constant 4 : i32
        %add3A_342 = arith.addi %mul3A_291, %add3A_341 : i32
        %get3A_343 = arith.index_cast %add3A_342 : i32 to index
        %get3A_344 = arith.constant 0 : index
        %get3A_345 = tpu.vector_load %arg7[%get3A_343, %get3A_344] {strides = array<i32>} : memref<1280x32xf32, #tpu.memory_space<vmem>>, vector<1x16xf32>,
        %get3A_346 = vector.shape_cast %get3A_345 : vector<1x16xf32> to vector<16xf32>
        %add3A_347 = arith.addf %add3A_333, %get3A_346 : vector<16xf32>
        %add3A_348 = arith.constant 4 : i32
        %add3A_349 = arith.addi %mul3A_291, %add3A_348 : i32
        %get3A_350 = arith.index_cast %add3A_349 : i32 to index
        %get3A_351 = arith.constant 16 : index
        %get3A_352 = tpu.vector_load %arg7[%get3A_350, %get3A_351] {strides = array<i32>} : memref<1280x32xf32, #tpu.memory_space<vmem>>, vector<1x16xf32>,
        %get3A_353 = vector.shape_cast %get3A_352 : vector<1x16xf32> to vector<16xf32>
        %add3A_354 = arith.addf %add3A_340, %get3A_353 : vector<16xf32>
        %add3A_355 = arith.constant 5 : i32
        %add3A_356 = arith.addi %mul3A_291, %add3A_355 : i32
        %get3A_357 = arith.index_cast %add3A_356 : i32 to index
        %get3A_358 = arith.constant 0 : index
        %get3A_359 = tpu.vector_load %arg7[%get3A_357, %get3A_358] {strides = array<i32>} : memref<1280x32xf32, #tpu.memory_space<vmem>>, vector<1x16xf32>,
        %get3A_360 = vector.shape_cast %get3A_359 : vector<1x16xf32> to vector<16xf32>
        %add3A_361 = arith.addf %add3A_347, %get3A_360 : vector<16xf32>
        %add3A_362 = arith.constant 5 : i32
        %add3A_363 = arith.addi %mul3A_291, %add3A_362 : i32
        %get3A_364 = arith.index_cast %add3A_363 : i32 to index
        %get3A_365 = arith.constant 16 : index
        %get3A_366 = tpu.vector_load %arg7[%get3A_364, %get3A_365] {strides = array<i32>} : memref<1280x32xf32, #tpu.memory_space<vmem>>, vector<1x16xf32>,
        %get3A_367 = vector.shape_cast %get3A_366 : vector<1x16xf32> to vector<16xf32>
        %add3A_368 = arith.addf %add3A_354, %get3A_367 : vector<16xf32>
        %add3A_369 = arith.constant 6 : i32
        %add3A_370 = arith.addi %mul3A_291, %add3A_369 : i32
        %get3A_371 = arith.index_cast %add3A_370 : i32 to index
        %get3A_372 = arith.constant 0 : index
        %get3A_373 = tpu.vector_load %arg7[%get3A_371, %get3A_372] {strides = array<i32>} : memref<1280x32xf32, #tpu.memory_space<vmem>>, vector<1x16xf32>,
        %get3A_374 = vector.shape_cast %get3A_373 : vector<1x16xf32> to vector<16xf32>
        %add3A_375 = arith.addf %add3A_361, %get3A_374 : vector<16xf32>
        %add3A_376 = arith.constant 6 : i32
        %add3A_377 = arith.addi %mul3A_291, %add3A_376 : i32
        %get3A_378 = arith.index_cast %add3A_377 : i32 to index
        %get3A_379 = arith.constant 16 : index
        %get3A_380 = tpu.vector_load %arg7[%get3A_378, %get3A_379] {strides = array<i32>} : memref<1280x32xf32, #tpu.memory_space<vmem>>, vector<1x16xf32>,
        %get3A_381 = vector.shape_cast %get3A_380 : vector<1x16xf32> to vector<16xf32>
        %add3A_382 = arith.addf %add3A_368, %get3A_381 : vector<16xf32>
        %add3A_383 = arith.constant 7 : i32
        %add3A_384 = arith.addi %mul3A_291, %add3A_383 : i32
        %get3A_385 = arith.index_cast %add3A_384 : i32 to index
        %get3A_386 = arith.constant 0 : index
        %get3A_387 = tpu.vector_load %arg7[%get3A_385, %get3A_386] {strides = array<i32>} : memref<1280x32xf32, #tpu.memory_space<vmem>>, vector<1x16xf32>,
        %get3A_388 = vector.shape_cast %get3A_387 : vector<1x16xf32> to vector<16xf32>
        %add3A_389 = arith.addf %add3A_375, %get3A_388 : vector<16xf32>
        %add3A_390 = arith.constant 7 : i32
        %add3A_391 = arith.addi %mul3A_291, %add3A_390 : i32
        %get3A_392 = arith.index_cast %add3A_391 : i32 to index
        %get3A_393 = arith.constant 16 : index
        %get3A_394 = tpu.vector_load %arg7[%get3A_392, %get3A_393] {strides = array<i32>} : memref<1280x32xf32, #tpu.memory_space<vmem>>, vector<1x16xf32>,
        %get3A_395 = vector.shape_cast %get3A_394 : vector<1x16xf32> to vector<16xf32>
        %add3A_396 = arith.addf %add3A_382, %get3A_395 : vector<16xf32>
        %add3A_397 = arith.constant 8 : i32
        %add3A_398 = arith.addi %mul3A_291, %add3A_397 : i32
        %get3A_399 = arith.index_cast %add3A_398 : i32 to index
        %get3A_400 = arith.constant 0 : index
        %get3A_401 = tpu.vector_load %arg7[%get3A_399, %get3A_400] {strides = array<i32>} : memref<1280x32xf32, #tpu.memory_space<vmem>>, vector<1x16xf32>,
        %get3A_402 = vector.shape_cast %get3A_401 : vector<1x16xf32> to vector<16xf32>
        %add3A_403 = arith.addf %add3A_389, %get3A_402 : vector<16xf32>
        %add3A_404 = arith.constant 8 : i32
        %add3A_405 = arith.addi %mul3A_291, %add3A_404 : i32
        %get3A_406 = arith.index_cast %add3A_405 : i32 to index
        %get3A_407 = arith.constant 16 : index
        %get3A_408 = tpu.vector_load %arg7[%get3A_406, %get3A_407] {strides = array<i32>} : memref<1280x32xf32, #tpu.memory_space<vmem>>, vector<1x16xf32>,
        %get3A_409 = vector.shape_cast %get3A_408 : vector<1x16xf32> to vector<16xf32>
        %add3A_410 = arith.addf %add3A_396, %get3A_409 : vector<16xf32>
        %add3A_411 = arith.constant 9 : i32
        %add3A_412 = arith.addi %mul3A_291, %add3A_411 : i32
        %get3A_413 = arith.index_cast %add3A_412 : i32 to index
        %get3A_414 = arith.constant 0 : index
        %get3A_415 = tpu.vector_load %arg7[%get3A_413, %get3A_414] {strides = array<i32>} : memref<1280x32xf32, #tpu.memory_space<vmem>>, vector<1x16xf32>,
        %get3A_416 = vector.shape_cast %get3A_415 : vector<1x16xf32> to vector<16xf32>
        %add3A_417 = arith.addf %add3A_403, %get3A_416 : vector<16xf32>
        %add3A_418 = arith.constant 9 : i32
        %add3A_419 = arith.addi %mul3A_291, %add3A_418 : i32
        %get3A_420 = arith.index_cast %add3A_419 : i32 to index
        %get3A_421 = arith.constant 16 : index
        %get3A_422 = tpu.vector_load %arg7[%get3A_420, %get3A_421] {strides = array<i32>} : memref<1280x32xf32, #tpu.memory_space<vmem>>, vector<1x16xf32>,
        %get3A_423 = vector.shape_cast %get3A_422 : vector<1x16xf32> to vector<16xf32>
        %add3A_424 = arith.addf %add3A_410, %get3A_423 : vector<16xf32>
        %add3A_425 = arith.constant 10 : i32
        %add3A_426 = arith.addi %mul3A_291, %add3A_425 : i32
        %get3A_427 = arith.index_cast %add3A_426 : i32 to index
        %get3A_428 = arith.constant 0 : index
        %get3A_429 = tpu.vector_load %arg7[%get3A_427, %get3A_428] {strides = array<i32>} : memref<1280x32xf32, #tpu.memory_space<vmem>>, vector<1x16xf32>,
        %get3A_430 = vector.shape_cast %get3A_429 : vector<1x16xf32> to vector<16xf32>
        %add3A_431 = arith.addf %add3A_417, %get3A_430 : vector<16xf32>
        %add3A_432 = arith.constant 10 : i32
        %add3A_433 = arith.addi %mul3A_291, %add3A_432 : i32
        %get3A_434 = arith.index_cast %add3A_433 : i32 to index
        %get3A_435 = arith.constant 16 : index
        %get3A_436 = tpu.vector_load %arg7[%get3A_434, %get3A_435] {strides = array<i32>} : memref<1280x32xf32, #tpu.memory_space<vmem>>, vector<1x16xf32>,
        %get3A_437 = vector.shape_cast %get3A_436 : vector<1x16xf32> to vector<16xf32>
        %add3A_438 = arith.addf %add3A_424, %get3A_437 : vector<16xf32>
        %add3A_439 = arith.constant 11 : i32
        %add3A_440 = arith.addi %mul3A_291, %add3A_439 : i32
        %get3A_441 = arith.index_cast %add3A_440 : i32 to index
        %get3A_442 = arith.constant 0 : index
        %get3A_443 = tpu.vector_load %arg7[%get3A_441, %get3A_442] {strides = array<i32>} : memref<1280x32xf32, #tpu.memory_space<vmem>>, vector<1x16xf32>,
        %get3A_444 = vector.shape_cast %get3A_443 : vector<1x16xf32> to vector<16xf32>
        %add3A_445 = arith.addf %add3A_431, %get3A_444 : vector<16xf32>
        %add3A_446 = arith.constant 11 : i32
        %add3A_447 = arith.addi %mul3A_291, %add3A_446 : i32
        %get3A_448 = arith.index_cast %add3A_447 : i32 to index
        %get3A_449 = arith.constant 16 : index
        %get3A_450 = tpu.vector_load %arg7[%get3A_448, %get3A_449] {strides = array<i32>} : memref<1280x32xf32, #tpu.memory_space<vmem>>, vector<1x16xf32>,
        %get3A_451 = vector.shape_cast %get3A_450 : vector<1x16xf32> to vector<16xf32>
        %add3A_452 = arith.addf %add3A_438, %get3A_451 : vector<16xf32>
        %add3A_453 = arith.constant 12 : i32
        %add3A_454 = arith.addi %mul3A_291, %add3A_453 : i32
        %get3A_455 = arith.index_cast %add3A_454 : i32 to index
        %get3A_456 = arith.constant 0 : index
        %get3A_457 = tpu.vector_load %arg7[%get3A_455, %get3A_456] {strides = array<i32>} : memref<1280x32xf32, #tpu.memory_space<vmem>>, vector<1x16xf32>,
        %get3A_458 = vector.shape_cast %get3A_457 : vector<1x16xf32> to vector<16xf32>
        %add3A_459 = arith.addf %add3A_445, %get3A_458 : vector<16xf32>
        %add3A_460 = arith.constant 12 : i32
        %add3A_461 = arith.addi %mul3A_291, %add3A_460 : i32
        %get3A_462 = arith.index_cast %add3A_461 : i32 to index
        %get3A_463 = arith.constant 16 : index
        %get3A_464 = tpu.vector_load %arg7[%get3A_462, %get3A_463] {strides = array<i32>} : memref<1280x32xf32, #tpu.memory_space<vmem>>, vector<1x16xf32>,
        %get3A_465 = vector.shape_cast %get3A_464 : vector<1x16xf32> to vector<16xf32>
        %add3A_466 = arith.addf %add3A_452, %get3A_465 : vector<16xf32>
        %add3A_467 = arith.constant 13 : i32
        %add3A_468 = arith.addi %mul3A_291, %add3A_467 : i32
        %get3A_469 = arith.index_cast %add3A_468 : i32 to index
        %get3A_470 = arith.constant 0 : index
        %get3A_471 = tpu.vector_load %arg7[%get3A_469, %get3A_470] {strides = array<i32>} : memref<1280x32xf32, #tpu.memory_space<vmem>>, vector<1x16xf32>,
        %get3A_472 = vector.shape_cast %get3A_471 : vector<1x16xf32> to vector<16xf32>
        %add3A_473 = arith.addf %add3A_459, %get3A_472 : vector<16xf32>
        %add3A_474 = arith.constant 13 : i32
        %add3A_475 = arith.addi %mul3A_291, %add3A_474 : i32
        %get3A_476 = arith.index_cast %add3A_475 : i32 to index
        %get3A_477 = arith.constant 16 : index
        %get3A_478 = tpu.vector_load %arg7[%get3A_476, %get3A_477] {strides = array<i32>} : memref<1280x32xf32, #tpu.memory_space<vmem>>, vector<1x16xf32>,
        %get3A_479 = vector.shape_cast %get3A_478 : vector<1x16xf32> to vector<16xf32>
        %add3A_480 = arith.addf %add3A_466, %get3A_479 : vector<16xf32>
        %add3A_481 = arith.constant 14 : i32
        %add3A_482 = arith.addi %mul3A_291, %add3A_481 : i32
        %get3A_483 = arith.index_cast %add3A_482 : i32 to index
        %get3A_484 = arith.constant 0 : index
        %get3A_485 = tpu.vector_load %arg7[%get3A_483, %get3A_484] {strides = array<i32>} : memref<1280x32xf32, #tpu.memory_space<vmem>>, vector<1x16xf32>,
        %get3A_486 = vector.shape_cast %get3A_485 : vector<1x16xf32> to vector<16xf32>
        %add3A_487 = arith.addf %add3A_473, %get3A_486 : vector<16xf32>
        %add3A_488 = arith.constant 14 : i32
        %add3A_489 = arith.addi %mul3A_291, %add3A_488 : i32
        %get3A_490 = arith.index_cast %add3A_489 : i32 to index
        %get3A_491 = arith.constant 16 : index
        %get3A_492 = tpu.vector_load %arg7[%get3A_490, %get3A_491] {strides = array<i32>} : memref<1280x32xf32, #tpu.memory_space<vmem>>, vector<1x16xf32>,
        %get3A_493 = vector.shape_cast %get3A_492 : vector<1x16xf32> to vector<16xf32>
        %add3A_494 = arith.addf %add3A_480, %get3A_493 : vector<16xf32>
        %add3A_495 = arith.constant 15 : i32
        %add3A_496 = arith.addi %mul3A_291, %add3A_495 : i32
        %get3A_497 = arith.index_cast %add3A_496 : i32 to index
        %get3A_498 = arith.constant 0 : index
        %get3A_499 = tpu.vector_load %arg7[%get3A_497, %get3A_498] {strides = array<i32>} : memref<1280x32xf32, #tpu.memory_space<vmem>>, vector<1x16xf32>,
        %get3A_500 = vector.shape_cast %get3A_499 : vector<1x16xf32> to vector<16xf32>
        %add3A_501 = arith.addf %add3A_487, %get3A_500 : vector<16xf32>
        %add3A_502 = arith.constant 15 : i32
        %add3A_503 = arith.addi %mul3A_291, %add3A_502 : i32
        %get3A_504 = arith.index_cast %add3A_503 : i32 to index
        %get3A_505 = arith.constant 16 : index
        %get3A_506 = tpu.vector_load %arg7[%get3A_504, %get3A_505] {strides = array<i32>} : memref<1280x32xf32, #tpu.memory_space<vmem>>, vector<1x16xf32>,
        %get3A_507 = vector.shape_cast %get3A_506 : vector<1x16xf32> to vector<16xf32>
        %add3A_508 = arith.addf %add3A_494, %get3A_507 : vector<16xf32>
        %add3A_509 = arith.constant 16 : i32
        %add3A_510 = arith.addi %mul3A_291, %add3A_509 : i32
        %get3A_511 = arith.index_cast %add3A_510 : i32 to index
        %get3A_512 = arith.constant 0 : index
        %get3A_513 = tpu.vector_load %arg7[%get3A_511, %get3A_512] {strides = array<i32>} : memref<1280x32xf32, #tpu.memory_space<vmem>>, vector<1x16xf32>,
        %get3A_514 = vector.shape_cast %get3A_513 : vector<1x16xf32> to vector<16xf32>
        %add3A_515 = arith.addf %add3A_501, %get3A_514 : vector<16xf32>
        %add3A_516 = arith.constant 16 : i32
        %add3A_517 = arith.addi %mul3A_291, %add3A_516 : i32
        %get3A_518 = arith.index_cast %add3A_517 : i32 to index
        %get3A_519 = arith.constant 16 : index
        %get3A_520 = tpu.vector_load %arg7[%get3A_518, %get3A_519] {strides = array<i32>} : memref<1280x32xf32, #tpu.memory_space<vmem>>, vector<1x16xf32>,
        %get3A_521 = vector.shape_cast %get3A_520 : vector<1x16xf32> to vector<16xf32>
        %add3A_522 = arith.addf %add3A_508, %get3A_521 : vector<16xf32>
        %add3A_523 = arith.constant 17 : i32
        %add3A_524 = arith.addi %mul3A_291, %add3A_523 : i32
        %get3A_525 = arith.index_cast %add3A_524 : i32 to index
        %get3A_526 = arith.constant 0 : index
        %get3A_527 = tpu.vector_load %arg7[%get3A_525, %get3A_526] {strides = array<i32>} : memref<1280x32xf32, #tpu.memory_space<vmem>>, vector<1x16xf32>,
        %get3A_528 = vector.shape_cast %get3A_527 : vector<1x16xf32> to vector<16xf32>
        %add3A_529 = arith.addf %add3A_515, %get3A_528 : vector<16xf32>
        %add3A_530 = arith.constant 17 : i32
        %add3A_531 = arith.addi %mul3A_291, %add3A_530 : i32
        %get3A_532 = arith.index_cast %add3A_531 : i32 to index
        %get3A_533 = arith.constant 16 : index
        %get3A_534 = tpu.vector_load %arg7[%get3A_532, %get3A_533] {strides = array<i32>} : memref<1280x32xf32, #tpu.memory_space<vmem>>, vector<1x16xf32>,
        %get3A_535 = vector.shape_cast %get3A_534 : vector<1x16xf32> to vector<16xf32>
        %add3A_536 = arith.addf %add3A_522, %get3A_535 : vector<16xf32>
        %add3A_537 = arith.constant 18 : i32
        %add3A_538 = arith.addi %mul3A_291, %add3A_537 : i32
        %get3A_539 = arith.index_cast %add3A_538 : i32 to index
        %get3A_540 = arith.constant 0 : index
        %get3A_541 = tpu.vector_load %arg7[%get3A_539, %get3A_540] {strides = array<i32>} : memref<1280x32xf32, #tpu.memory_space<vmem>>, vector<1x16xf32>,
        %get3A_542 = vector.shape_cast %get3A_541 : vector<1x16xf32> to vector<16xf32>
        %add3A_543 = arith.addf %add3A_529, %get3A_542 : vector<16xf32>
        %add3A_544 = arith.constant 18 : i32
        %add3A_545 = arith.addi %mul3A_291, %add3A_544 : i32
        %get3A_546 = arith.index_cast %add3A_545 : i32 to index
        %get3A_547 = arith.constant 16 : index
        %get3A_548 = tpu.vector_load %arg7[%get3A_546, %get3A_547] {strides = array<i32>} : memref<1280x32xf32, #tpu.memory_space<vmem>>, vector<1x16xf32>,
        %get3A_549 = vector.shape_cast %get3A_548 : vector<1x16xf32> to vector<16xf32>
        %add3A_550 = arith.addf %add3A_536, %get3A_549 : vector<16xf32>
        %add3A_551 = arith.constant 19 : i32
        %add3A_552 = arith.addi %mul3A_291, %add3A_551 : i32
        %get3A_553 = arith.index_cast %add3A_552 : i32 to index
        %get3A_554 = arith.constant 0 : index
        %get3A_555 = tpu.vector_load %arg7[%get3A_553, %get3A_554] {strides = array<i32>} : memref<1280x32xf32, #tpu.memory_space<vmem>>, vector<1x16xf32>,
        %get3A_556 = vector.shape_cast %get3A_555 : vector<1x16xf32> to vector<16xf32>
        %add3A_557 = arith.addf %add3A_543, %get3A_556 : vector<16xf32>
        %add3A_558 = arith.constant 19 : i32
        %add3A_559 = arith.addi %mul3A_291, %add3A_558 : i32
        %get3A_560 = arith.index_cast %add3A_559 : i32 to index
        %get3A_561 = arith.constant 16 : index
        %get3A_562 = tpu.vector_load %arg7[%get3A_560, %get3A_561] {strides = array<i32>} : memref<1280x32xf32, #tpu.memory_space<vmem>>, vector<1x16xf32>,
        %get3A_563 = vector.shape_cast %get3A_562 : vector<1x16xf32> to vector<16xf32>
        %add3A_564 = arith.addf %add3A_550, %get3A_563 : vector<16xf32>
        %swap3A = arith.index_cast %add3A_289 : i32 to index
        %swap3A_565 = arith.constant 0 : index
        %swap3A_566 = tpu.vector_load %arg9[%swap3A, %swap3A_565] {strides = array<i32>} : memref<64x32xf32, #tpu.memory_space<vmem>>, vector<1x16xf32>,
        %swap3A_567 = vector.shape_cast %swap3A_566 : vector<1x16xf32> to vector<16xf32>
        %swap3A_568 = vector.shape_cast %add3A_557 : vector<16xf32> to vector<1x16xf32>
        tpu.vector_store %arg9[%swap3A, %swap3A_565], %swap3A_568 {strides = array<i32>} : memref<64x32xf32, #tpu.memory_space<vmem>>, vector<1x16xf32>,
        %swap3A_569 = arith.index_cast %add3A_289 : i32 to index
        %swap3A_570 = arith.constant 16 : index
        %swap3A_571 = tpu.vector_load %arg9[%swap3A_569, %swap3A_570] {strides = array<i32>} : memref<64x32xf32, #tpu.memory_space<vmem>>, vector<1x16xf32>,
        %swap3A_572 = vector.shape_cast %swap3A_571 : vector<1x16xf32> to vector<16xf32>
        %swap3A_573 = vector.shape_cast %add3A_564 : vector<16xf32> to vector<1x16xf32>
        tpu.vector_store %arg9[%swap3A_569, %swap3A_570], %swap3A_573 {strides = array<i32>} : memref<64x32xf32, #tpu.memory_space<vmem>>, vector<1x16xf32>,
      }
      %scan3A_184 = arith.constant 64 : i32
      %mul3A_185 = arith.constant 64 : i32
      %mul3A_186 = arith.muli %add3A_96, %mul3A_185 : i32
      %add3A_187 = arith.addi %mul3A_2, %mul3A_186 : i32
      "tpu.region"() ({
        %run_scoped3A = tpu.sem_alloc : memref<!tpu.dma_semaphore, #tpu.memory_space<semaphore_mem>>
        %dma_start3A_285 = arith.constant 0 : i32
        %dma_start3A_286 = tpu.memref_slice %arg4[%add3A_187, %dma_start3A_285] : memref<106496x32xf32, #tpu.memory_space<hbm>> -> memref<64x32xf32, #tpu.memory_space<hbm>>
        %dma_start3A_287 = arith.constant 0 : i32
        %dma_start3A_288 = tpu.memref_slice %arg4[%add3A_187, %dma_start3A_287] : memref<106496x32xf32, #tpu.memory_space<hbm>> -> memref<64x32xf32, #tpu.memory_space<hbm>>
        tpu.enqueue_dma source(%arg9 : memref<64x32xf32, #tpu.memory_space<vmem>>) target(%dma_start3A_288 : memref<64x32xf32, #tpu.memory_space<hbm>>) target_semaphore(%run_scoped3A : memref<!tpu.dma_semaphore, #tpu.memory_space<semaphore_mem>>)
        %dma_wait3A_289 = arith.constant 0 : i32
        %dma_wait3A_290 = tpu.memref_slice %arg4[%add3A_187, %dma_wait3A_289] : memref<106496x32xf32, #tpu.memory_space<hbm>> -> memref<64x32xf32, #tpu.memory_space<hbm>>
        %dma_wait3A_291 = arith.constant 0 : i32
        %dma_wait3A_292 = tpu.memref_slice %arg4[%add3A_187, %dma_wait3A_291] : memref<106496x32xf32, #tpu.memory_space<hbm>> -> memref<64x32xf32, #tpu.memory_space<hbm>>
        tpu.wait_dma2 semaphore(%run_scoped3A : memref<!tpu.dma_semaphore, #tpu.memory_space<semaphore_mem>>) src(%arg9 : memref<64x32xf32, #tpu.memory_space<vmem>>) dst(%dma_wait3A_292 : memref<64x32xf32, #tpu.memory_space<hbm>>)
        tpu.yield
      }) : () -> ()
      %add3A_188 = arith.constant 1 : i32
      %add3A_189 = arith.addi %add3A_94, %add3A_188 : i32
      %add3A_190 = arith.constant 1 : i32
      %add3A_191 = arith.addi %add3A_189, %add3A_190 : i32
      %lt3A_192 = arith.constant 52 : i32
      %lt3A_193 = arith.cmpi slt, %add3A_191, %lt3A_192 : i32
      %convert_element_type3A_194 = arith.extui %lt3A_193 : i1 to i32
      %cond3A_195 = arith.constant 0 : i32
      %cond3A_196 = arith.cmpi ne, %convert_element_type3A_194, %cond3A_195 : i32
      scf.if %cond3A_196 {
        %mul3A_285 = arith.constant 1280 : i32
        %mul3A_286 = arith.muli %add3A_191, %mul3A_285 : i32
        %add3A_287 = arith.addi %mul3A_4, %mul3A_286 : i32
        "tpu.region"() ({
          %run_scoped3A = tpu.sem_alloc : memref<!tpu.dma_semaphore, #tpu.memory_space<semaphore_mem>>
          %dma_start3A_368 = tpu.memref_slice %arg3[%add3A_287] : memref<2129920xi32, #tpu.memory_space<hbm>> -> memref<1280xi32, #tpu.memory_space<hbm>>
          %dma_start3A_369 = tpu.memref_slice %arg3[%add3A_287] : memref<2129920xi32, #tpu.memory_space<hbm>> -> memref<1280xi32, #tpu.memory_space<hbm>>
          tpu.enqueue_dma source(%dma_start3A_369 : memref<1280xi32, #tpu.memory_space<hbm>>) target(%arg5 : memref<1280xi32, #tpu.memory_space<vmem>>) target_semaphore(%run_scoped3A : memref<!tpu.dma_semaphore, #tpu.memory_space<semaphore_mem>>)
          %dma_wait3A_370 = tpu.memref_slice %arg3[%add3A_287] : memref<2129920xi32, #tpu.memory_space<hbm>> -> memref<1280xi32, #tpu.memory_space<hbm>>
          %dma_wait3A_371 = tpu.memref_slice %arg3[%add3A_287] : memref<2129920xi32, #tpu.memory_space<hbm>> -> memref<1280xi32, #tpu.memory_space<hbm>>
          tpu.wait_dma2 semaphore(%run_scoped3A : memref<!tpu.dma_semaphore, #tpu.memory_space<semaphore_mem>>) src(%dma_wait3A_371 : memref<1280xi32, #tpu.memory_space<hbm>>) dst(%arg5 : memref<1280xi32, #tpu.memory_space<vmem>>)
          tpu.yield
        }) : () -> ()
        %dma_start3A_288 = arith.constant 0 : i32
        %dma_start3A_289 = arith.constant 0 : i32
        %dma_start3A_290 = tpu.memref_slice %arg7[%dma_start3A_288, %dma_start3A_289] : memref<1280x32xf32, #tpu.memory_space<vmem>> -> memref<128x32xf32, #tpu.memory_space<vmem>>
        %dma_start3A_291 = arith.constant 0 : i32
        %dma_start3A_292 = tpu.memref_slice %arg5[%dma_start3A_291] : memref<1280xi32, #tpu.memory_space<vmem>> -> memref<128xi32, #tpu.memory_space<vmem>>
        %dma_start3A_293 = arith.constant 0 : i32
        %dma_start3A_294 = arith.constant 0 : i32
        %dma_start3A_295 = tpu.memref_slice %arg2[%dma_start3A_293, %dma_start3A_294] : memref<1000000x32xf32, #tpu.memory_space<hbm>> -> memref<1000000x32xf32, #tpu.memory_space<hbm>>
        tpu.enqueue_indirect_dma source(%dma_start3A_295 : memref<1000000x32xf32, #tpu.memory_space<hbm>>) target(%dma_start3A_290 : memref<128x32xf32, #tpu.memory_space<vmem>>) offsets(%dma_start3A_292 : memref<128xi32, #tpu.memory_space<vmem>>) semaphore(%arg11 : memref<!tpu.dma_semaphore, #tpu.memory_space<semaphore_mem>>)
        %dma_start3A_296 = arith.constant 128 : i32
        %dma_start3A_297 = arith.constant 0 : i32
        %dma_start3A_298 = tpu.memref_slice %arg7[%dma_start3A_296, %dma_start3A_297] : memref<1280x32xf32, #tpu.memory_space<vmem>> -> memref<128x32xf32, #tpu.memory_space<vmem>>
        %dma_start3A_299 = arith.constant 128 : i32
        %dma_start3A_300 = tpu.memref_slice %arg5[%dma_start3A_299] : memref<1280xi32, #tpu.memory_space<vmem>> -> memref<128xi32, #tpu.memory_space<vmem>>
        %dma_start3A_301 = arith.constant 0 : i32
        %dma_start3A_302 = arith.constant 0 : i32
        %dma_start3A_303 = tpu.memref_slice %arg2[%dma_start3A_301, %dma_start3A_302] : memref<1000000x32xf32, #tpu.memory_space<hbm>> -> memref<1000000x32xf32, #tpu.memory_space<hbm>>
        tpu.enqueue_indirect_dma source(%dma_start3A_303 : memref<1000000x32xf32, #tpu.memory_space<hbm>>) target(%dma_start3A_298 : memref<128x32xf32, #tpu.memory_space<vmem>>) offsets(%dma_start3A_300 : memref<128xi32, #tpu.memory_space<vmem>>) semaphore(%arg11 : memref<!tpu.dma_semaphore, #tpu.memory_space<semaphore_mem>>)
        %dma_start3A_304 = arith.constant 256 : i32
        %dma_start3A_305 = arith.constant 0 : i32
        %dma_start3A_306 = tpu.memref_slice %arg7[%dma_start3A_304, %dma_start3A_305] : memref<1280x32xf32, #tpu.memory_space<vmem>> -> memref<128x32xf32, #tpu.memory_space<vmem>>
        %dma_start3A_307 = arith.constant 256 : i32
        %dma_start3A_308 = tpu.memref_slice %arg5[%dma_start3A_307] : memref<1280xi32, #tpu.memory_space<vmem>> -> memref<128xi32, #tpu.memory_space<vmem>>
        %dma_start3A_309 = arith.constant 0 : i32
        %dma_start3A_310 = arith.constant 0 : i32
        %dma_start3A_311 = tpu.memref_slice %arg2[%dma_start3A_309, %dma_start3A_310] : memref<1000000x32xf32, #tpu.memory_space<hbm>> -> memref<1000000x32xf32, #tpu.memory_space<hbm>>
        tpu.enqueue_indirect_dma source(%dma_start3A_311 : memref<1000000x32xf32, #tpu.memory_space<hbm>>) target(%dma_start3A_306 : memref<128x32xf32, #tpu.memory_space<vmem>>) offsets(%dma_start3A_308 : memref<128xi32, #tpu.memory_space<vmem>>) semaphore(%arg11 : memref<!tpu.dma_semaphore, #tpu.memory_space<semaphore_mem>>)
        %dma_start3A_312 = arith.constant 384 : i32
        %dma_start3A_313 = arith.constant 0 : i32
        %dma_start3A_314 = tpu.memref_slice %arg7[%dma_start3A_312, %dma_start3A_313] : memref<1280x32xf32, #tpu.memory_space<vmem>> -> memref<128x32xf32, #tpu.memory_space<vmem>>
        %dma_start3A_315 = arith.constant 384 : i32
        %dma_start3A_316 = tpu.memref_slice %arg5[%dma_start3A_315] : memref<1280xi32, #tpu.memory_space<vmem>> -> memref<128xi32, #tpu.memory_space<vmem>>
        %dma_start3A_317 = arith.constant 0 : i32
        %dma_start3A_318 = arith.constant 0 : i32
        %dma_start3A_319 = tpu.memref_slice %arg2[%dma_start3A_317, %dma_start3A_318] : memref<1000000x32xf32, #tpu.memory_space<hbm>> -> memref<1000000x32xf32, #tpu.memory_space<hbm>>
        tpu.enqueue_indirect_dma source(%dma_start3A_319 : memref<1000000x32xf32, #tpu.memory_space<hbm>>) target(%dma_start3A_314 : memref<128x32xf32, #tpu.memory_space<vmem>>) offsets(%dma_start3A_316 : memref<128xi32, #tpu.memory_space<vmem>>) semaphore(%arg11 : memref<!tpu.dma_semaphore, #tpu.memory_space<semaphore_mem>>)
        %dma_start3A_320 = arith.constant 512 : i32
        %dma_start3A_321 = arith.constant 0 : i32
        %dma_start3A_322 = tpu.memref_slice %arg7[%dma_start3A_320, %dma_start3A_321] : memref<1280x32xf32, #tpu.memory_space<vmem>> -> memref<128x32xf32, #tpu.memory_space<vmem>>
        %dma_start3A_323 = arith.constant 512 : i32
        %dma_start3A_324 = tpu.memref_slice %arg5[%dma_start3A_323] : memref<1280xi32, #tpu.memory_space<vmem>> -> memref<128xi32, #tpu.memory_space<vmem>>
        %dma_start3A_325 = arith.constant 0 : i32
        %dma_start3A_326 = arith.constant 0 : i32
        %dma_start3A_327 = tpu.memref_slice %arg2[%dma_start3A_325, %dma_start3A_326] : memref<1000000x32xf32, #tpu.memory_space<hbm>> -> memref<1000000x32xf32, #tpu.memory_space<hbm>>
        tpu.enqueue_indirect_dma source(%dma_start3A_327 : memref<1000000x32xf32, #tpu.memory_space<hbm>>) target(%dma_start3A_322 : memref<128x32xf32, #tpu.memory_space<vmem>>) offsets(%dma_start3A_324 : memref<128xi32, #tpu.memory_space<vmem>>) semaphore(%arg11 : memref<!tpu.dma_semaphore, #tpu.memory_space<semaphore_mem>>)
        %dma_start3A_328 = arith.constant 640 : i32
        %dma_start3A_329 = arith.constant 0 : i32
        %dma_start3A_330 = tpu.memref_slice %arg7[%dma_start3A_328, %dma_start3A_329] : memref<1280x32xf32, #tpu.memory_space<vmem>> -> memref<128x32xf32, #tpu.memory_space<vmem>>
        %dma_start3A_331 = arith.constant 640 : i32
        %dma_start3A_332 = tpu.memref_slice %arg5[%dma_start3A_331] : memref<1280xi32, #tpu.memory_space<vmem>> -> memref<128xi32, #tpu.memory_space<vmem>>
        %dma_start3A_333 = arith.constant 0 : i32
        %dma_start3A_334 = arith.constant 0 : i32
        %dma_start3A_335 = tpu.memref_slice %arg2[%dma_start3A_333, %dma_start3A_334] : memref<1000000x32xf32, #tpu.memory_space<hbm>> -> memref<1000000x32xf32, #tpu.memory_space<hbm>>
        tpu.enqueue_indirect_dma source(%dma_start3A_335 : memref<1000000x32xf32, #tpu.memory_space<hbm>>) target(%dma_start3A_330 : memref<128x32xf32, #tpu.memory_space<vmem>>) offsets(%dma_start3A_332 : memref<128xi32, #tpu.memory_space<vmem>>) semaphore(%arg11 : memref<!tpu.dma_semaphore, #tpu.memory_space<semaphore_mem>>)
        %dma_start3A_336 = arith.constant 768 : i32
        %dma_start3A_337 = arith.constant 0 : i32
        %dma_start3A_338 = tpu.memref_slice %arg7[%dma_start3A_336, %dma_start3A_337] : memref<1280x32xf32, #tpu.memory_space<vmem>> -> memref<128x32xf32, #tpu.memory_space<vmem>>
        %dma_start3A_339 = arith.constant 768 : i32
        %dma_start3A_340 = tpu.memref_slice %arg5[%dma_start3A_339] : memref<1280xi32, #tpu.memory_space<vmem>> -> memref<128xi32, #tpu.memory_space<vmem>>
        %dma_start3A_341 = arith.constant 0 : i32
        %dma_start3A_342 = arith.constant 0 : i32
        %dma_start3A_343 = tpu.memref_slice %arg2[%dma_start3A_341, %dma_start3A_342] : memref<1000000x32xf32, #tpu.memory_space<hbm>> -> memref<1000000x32xf32, #tpu.memory_space<hbm>>
        tpu.enqueue_indirect_dma source(%dma_start3A_343 : memref<1000000x32xf32, #tpu.memory_space<hbm>>) target(%dma_start3A_338 : memref<128x32xf32, #tpu.memory_space<vmem>>) offsets(%dma_start3A_340 : memref<128xi32, #tpu.memory_space<vmem>>) semaphore(%arg11 : memref<!tpu.dma_semaphore, #tpu.memory_space<semaphore_mem>>)
        %dma_start3A_344 = arith.constant 896 : i32
        %dma_start3A_345 = arith.constant 0 : i32
        %dma_start3A_346 = tpu.memref_slice %arg7[%dma_start3A_344, %dma_start3A_345] : memref<1280x32xf32, #tpu.memory_space<vmem>> -> memref<128x32xf32, #tpu.memory_space<vmem>>
        %dma_start3A_347 = arith.constant 896 : i32
        %dma_start3A_348 = tpu.memref_slice %arg5[%dma_start3A_347] : memref<1280xi32, #tpu.memory_space<vmem>> -> memref<128xi32, #tpu.memory_space<vmem>>
        %dma_start3A_349 = arith.constant 0 : i32
        %dma_start3A_350 = arith.constant 0 : i32
        %dma_start3A_351 = tpu.memref_slice %arg2[%dma_start3A_349, %dma_start3A_350] : memref<1000000x32xf32, #tpu.memory_space<hbm>> -> memref<1000000x32xf32, #tpu.memory_space<hbm>>
        tpu.enqueue_indirect_dma source(%dma_start3A_351 : memref<1000000x32xf32, #tpu.memory_space<hbm>>) target(%dma_start3A_346 : memref<128x32xf32, #tpu.memory_space<vmem>>) offsets(%dma_start3A_348 : memref<128xi32, #tpu.memory_space<vmem>>) semaphore(%arg11 : memref<!tpu.dma_semaphore, #tpu.memory_space<semaphore_mem>>)
        %dma_start3A_352 = arith.constant 1024 : i32
        %dma_start3A_353 = arith.constant 0 : i32
        %dma_start3A_354 = tpu.memref_slice %arg7[%dma_start3A_352, %dma_start3A_353] : memref<1280x32xf32, #tpu.memory_space<vmem>> -> memref<128x32xf32, #tpu.memory_space<vmem>>
        %dma_start3A_355 = arith.constant 1024 : i32
        %dma_start3A_356 = tpu.memref_slice %arg5[%dma_start3A_355] : memref<1280xi32, #tpu.memory_space<vmem>> -> memref<128xi32, #tpu.memory_space<vmem>>
        %dma_start3A_357 = arith.constant 0 : i32
        %dma_start3A_358 = arith.constant 0 : i32
        %dma_start3A_359 = tpu.memref_slice %arg2[%dma_start3A_357, %dma_start3A_358] : memref<1000000x32xf32, #tpu.memory_space<hbm>> -> memref<1000000x32xf32, #tpu.memory_space<hbm>>
        tpu.enqueue_indirect_dma source(%dma_start3A_359 : memref<1000000x32xf32, #tpu.memory_space<hbm>>) target(%dma_start3A_354 : memref<128x32xf32, #tpu.memory_space<vmem>>) offsets(%dma_start3A_356 : memref<128xi32, #tpu.memory_space<vmem>>) semaphore(%arg11 : memref<!tpu.dma_semaphore, #tpu.memory_space<semaphore_mem>>)
        %dma_start3A_360 = arith.constant 1152 : i32
        %dma_start3A_361 = arith.constant 0 : i32
        %dma_start3A_362 = tpu.memref_slice %arg7[%dma_start3A_360, %dma_start3A_361] : memref<1280x32xf32, #tpu.memory_space<vmem>> -> memref<128x32xf32, #tpu.memory_space<vmem>>
        %dma_start3A_363 = arith.constant 1152 : i32
        %dma_start3A_364 = tpu.memref_slice %arg5[%dma_start3A_363] : memref<1280xi32, #tpu.memory_space<vmem>> -> memref<128xi32, #tpu.memory_space<vmem>>
        %dma_start3A_365 = arith.constant 0 : i32
        %dma_start3A_366 = arith.constant 0 : i32
        %dma_start3A_367 = tpu.memref_slice %arg2[%dma_start3A_365, %dma_start3A_366] : memref<1000000x32xf32, #tpu.memory_space<hbm>> -> memref<1000000x32xf32, #tpu.memory_space<hbm>>
        tpu.enqueue_indirect_dma source(%dma_start3A_367 : memref<1000000x32xf32, #tpu.memory_space<hbm>>) target(%dma_start3A_362 : memref<128x32xf32, #tpu.memory_space<vmem>>) offsets(%dma_start3A_364 : memref<128xi32, #tpu.memory_space<vmem>>) semaphore(%arg11 : memref<!tpu.dma_semaphore, #tpu.memory_space<semaphore_mem>>)
      } else {
      }
      %dma_wait3A_197 = arith.constant 0 : i32
      %dma_wait3A_198 = arith.constant 0 : i32
      %dma_wait3A_199 = tpu.memref_slice %arg8[%dma_wait3A_197, %dma_wait3A_198] : memref<1280x32xf32, #tpu.memory_space<vmem>> -> memref<128x32xf32, #tpu.memory_space<vmem>>
      %dma_wait3A_200 = arith.constant 0 : i32
      %dma_wait3A_201 = tpu.memref_slice %arg6[%dma_wait3A_200] : memref<1280xi32, #tpu.memory_space<vmem>> -> memref<128xi32, #tpu.memory_space<vmem>>
      %dma_wait3A_202 = arith.constant 0 : i32
      %dma_wait3A_203 = arith.constant 0 : i32
      %dma_wait3A_204 = tpu.memref_slice %arg2[%dma_wait3A_202, %dma_wait3A_203] : memref<1000000x32xf32, #tpu.memory_space<hbm>> -> memref<1000000x32xf32, #tpu.memory_space<hbm>>
      tpu.wait_indirect_dma semaphore(%arg12 : memref<!tpu.dma_semaphore, #tpu.memory_space<semaphore_mem>>) src(%dma_wait3A_204 : memref<1000000x32xf32, #tpu.memory_space<hbm>>) dst(%dma_wait3A_199 : memref<128x32xf32, #tpu.memory_space<vmem>>)
      %dma_wait3A_205 = arith.constant 128 : i32
      %dma_wait3A_206 = arith.constant 0 : i32
      %dma_wait3A_207 = tpu.memref_slice %arg8[%dma_wait3A_205, %dma_wait3A_206] : memref<1280x32xf32, #tpu.memory_space<vmem>> -> memref<128x32xf32, #tpu.memory_space<vmem>>
      %dma_wait3A_208 = arith.constant 128 : i32
      %dma_wait3A_209 = tpu.memref_slice %arg6[%dma_wait3A_208] : memref<1280xi32, #tpu.memory_space<vmem>> -> memref<128xi32, #tpu.memory_space<vmem>>
      %dma_wait3A_210 = arith.constant 0 : i32
      %dma_wait3A_211 = arith.constant 0 : i32
      %dma_wait3A_212 = tpu.memref_slice %arg2[%dma_wait3A_210, %dma_wait3A_211] : memref<1000000x32xf32, #tpu.memory_space<hbm>> -> memref<1000000x32xf32, #tpu.memory_space<hbm>>
      tpu.wait_indirect_dma semaphore(%arg12 : memref<!tpu.dma_semaphore, #tpu.memory_space<semaphore_mem>>) src(%dma_wait3A_212 : memref<1000000x32xf32, #tpu.memory_space<hbm>>) dst(%dma_wait3A_207 : memref<128x32xf32, #tpu.memory_space<vmem>>)
      %dma_wait3A_213 = arith.constant 256 : i32
      %dma_wait3A_214 = arith.constant 0 : i32
      %dma_wait3A_215 = tpu.memref_slice %arg8[%dma_wait3A_213, %dma_wait3A_214] : memref<1280x32xf32, #tpu.memory_space<vmem>> -> memref<128x32xf32, #tpu.memory_space<vmem>>
      %dma_wait3A_216 = arith.constant 256 : i32
      %dma_wait3A_217 = tpu.memref_slice %arg6[%dma_wait3A_216] : memref<1280xi32, #tpu.memory_space<vmem>> -> memref<128xi32, #tpu.memory_space<vmem>>
      %dma_wait3A_218 = arith.constant 0 : i32
      %dma_wait3A_219 = arith.constant 0 : i32
      %dma_wait3A_220 = tpu.memref_slice %arg2[%dma_wait3A_218, %dma_wait3A_219] : memref<1000000x32xf32, #tpu.memory_space<hbm>> -> memref<1000000x32xf32, #tpu.memory_space<hbm>>
      tpu.wait_indirect_dma semaphore(%arg12 : memref<!tpu.dma_semaphore, #tpu.memory_space<semaphore_mem>>) src(%dma_wait3A_220 : memref<1000000x32xf32, #tpu.memory_space<hbm>>) dst(%dma_wait3A_215 : memref<128x32xf32, #tpu.memory_space<vmem>>)
      %dma_wait3A_221 = arith.constant 384 : i32
      %dma_wait3A_222 = arith.constant 0 : i32
      %dma_wait3A_223 = tpu.memref_slice %arg8[%dma_wait3A_221, %dma_wait3A_222] : memref<1280x32xf32, #tpu.memory_space<vmem>> -> memref<128x32xf32, #tpu.memory_space<vmem>>
      %dma_wait3A_224 = arith.constant 384 : i32
      %dma_wait3A_225 = tpu.memref_slice %arg6[%dma_wait3A_224] : memref<1280xi32, #tpu.memory_space<vmem>> -> memref<128xi32, #tpu.memory_space<vmem>>
      %dma_wait3A_226 = arith.constant 0 : i32
      %dma_wait3A_227 = arith.constant 0 : i32
      %dma_wait3A_228 = tpu.memref_slice %arg2[%dma_wait3A_226, %dma_wait3A_227] : memref<1000000x32xf32, #tpu.memory_space<hbm>> -> memref<1000000x32xf32, #tpu.memory_space<hbm>>
      tpu.wait_indirect_dma semaphore(%arg12 : memref<!tpu.dma_semaphore, #tpu.memory_space<semaphore_mem>>) src(%dma_wait3A_228 : memref<1000000x32xf32, #tpu.memory_space<hbm>>) dst(%dma_wait3A_223 : memref<128x32xf32, #tpu.memory_space<vmem>>)
      %dma_wait3A_229 = arith.constant 512 : i32
      %dma_wait3A_230 = arith.constant 0 : i32
      %dma_wait3A_231 = tpu.memref_slice %arg8[%dma_wait3A_229, %dma_wait3A_230] : memref<1280x32xf32, #tpu.memory_space<vmem>> -> memref<128x32xf32, #tpu.memory_space<vmem>>
      %dma_wait3A_232 = arith.constant 512 : i32
      %dma_wait3A_233 = tpu.memref_slice %arg6[%dma_wait3A_232] : memref<1280xi32, #tpu.memory_space<vmem>> -> memref<128xi32, #tpu.memory_space<vmem>>
      %dma_wait3A_234 = arith.constant 0 : i32
      %dma_wait3A_235 = arith.constant 0 : i32
      %dma_wait3A_236 = tpu.memref_slice %arg2[%dma_wait3A_234, %dma_wait3A_235] : memref<1000000x32xf32, #tpu.memory_space<hbm>> -> memref<1000000x32xf32, #tpu.memory_space<hbm>>
      tpu.wait_indirect_dma semaphore(%arg12 : memref<!tpu.dma_semaphore, #tpu.memory_space<semaphore_mem>>) src(%dma_wait3A_236 : memref<1000000x32xf32, #tpu.memory_space<hbm>>) dst(%dma_wait3A_231 : memref<128x32xf32, #tpu.memory_space<vmem>>)
      %dma_wait3A_237 = arith.constant 640 : i32
      %dma_wait3A_238 = arith.constant 0 : i32
      %dma_wait3A_239 = tpu.memref_slice %arg8[%dma_wait3A_237, %dma_wait3A_238] : memref<1280x32xf32, #tpu.memory_space<vmem>> -> memref<128x32xf32, #tpu.memory_space<vmem>>
      %dma_wait3A_240 = arith.constant 640 : i32
      %dma_wait3A_241 = tpu.memref_slice %arg6[%dma_wait3A_240] : memref<1280xi32, #tpu.memory_space<vmem>> -> memref<128xi32, #tpu.memory_space<vmem>>
      %dma_wait3A_242 = arith.constant 0 : i32
      %dma_wait3A_243 = arith.constant 0 : i32
      %dma_wait3A_244 = tpu.memref_slice %arg2[%dma_wait3A_242, %dma_wait3A_243] : memref<1000000x32xf32, #tpu.memory_space<hbm>> -> memref<1000000x32xf32, #tpu.memory_space<hbm>>
      tpu.wait_indirect_dma semaphore(%arg12 : memref<!tpu.dma_semaphore, #tpu.memory_space<semaphore_mem>>) src(%dma_wait3A_244 : memref<1000000x32xf32, #tpu.memory_space<hbm>>) dst(%dma_wait3A_239 : memref<128x32xf32, #tpu.memory_space<vmem>>)
      %dma_wait3A_245 = arith.constant 768 : i32
      %dma_wait3A_246 = arith.constant 0 : i32
      %dma_wait3A_247 = tpu.memref_slice %arg8[%dma_wait3A_245, %dma_wait3A_246] : memref<1280x32xf32, #tpu.memory_space<vmem>> -> memref<128x32xf32, #tpu.memory_space<vmem>>
      %dma_wait3A_248 = arith.constant 768 : i32
      %dma_wait3A_249 = tpu.memref_slice %arg6[%dma_wait3A_248] : memref<1280xi32, #tpu.memory_space<vmem>> -> memref<128xi32, #tpu.memory_space<vmem>>
      %dma_wait3A_250 = arith.constant 0 : i32
      %dma_wait3A_251 = arith.constant 0 : i32
      %dma_wait3A_252 = tpu.memref_slice %arg2[%dma_wait3A_250, %dma_wait3A_251] : memref<1000000x32xf32, #tpu.memory_space<hbm>> -> memref<1000000x32xf32, #tpu.memory_space<hbm>>
      tpu.wait_indirect_dma semaphore(%arg12 : memref<!tpu.dma_semaphore, #tpu.memory_space<semaphore_mem>>) src(%dma_wait3A_252 : memref<1000000x32xf32, #tpu.memory_space<hbm>>) dst(%dma_wait3A_247 : memref<128x32xf32, #tpu.memory_space<vmem>>)
      %dma_wait3A_253 = arith.constant 896 : i32
      %dma_wait3A_254 = arith.constant 0 : i32
      %dma_wait3A_255 = tpu.memref_slice %arg8[%dma_wait3A_253, %dma_wait3A_254] : memref<1280x32xf32, #tpu.memory_space<vmem>> -> memref<128x32xf32, #tpu.memory_space<vmem>>
      %dma_wait3A_256 = arith.constant 896 : i32
      %dma_wait3A_257 = tpu.memref_slice %arg6[%dma_wait3A_256] : memref<1280xi32, #tpu.memory_space<vmem>> -> memref<128xi32, #tpu.memory_space<vmem>>
      %dma_wait3A_258 = arith.constant 0 : i32
      %dma_wait3A_259 = arith.constant 0 : i32
      %dma_wait3A_260 = tpu.memref_slice %arg2[%dma_wait3A_258, %dma_wait3A_259] : memref<1000000x32xf32, #tpu.memory_space<hbm>> -> memref<1000000x32xf32, #tpu.memory_space<hbm>>
      tpu.wait_indirect_dma semaphore(%arg12 : memref<!tpu.dma_semaphore, #tpu.memory_space<semaphore_mem>>) src(%dma_wait3A_260 : memref<1000000x32xf32, #tpu.memory_space<hbm>>) dst(%dma_wait3A_255 : memref<128x32xf32, #tpu.memory_space<vmem>>)
      %dma_wait3A_261 = arith.constant 1024 : i32
      %dma_wait3A_262 = arith.constant 0 : i32
      %dma_wait3A_263 = tpu.memref_slice %arg8[%dma_wait3A_261, %dma_wait3A_262] : memref<1280x32xf32, #tpu.memory_space<vmem>> -> memref<128x32xf32, #tpu.memory_space<vmem>>
      %dma_wait3A_264 = arith.constant 1024 : i32
      %dma_wait3A_265 = tpu.memref_slice %arg6[%dma_wait3A_264] : memref<1280xi32, #tpu.memory_space<vmem>> -> memref<128xi32, #tpu.memory_space<vmem>>
      %dma_wait3A_266 = arith.constant 0 : i32
      %dma_wait3A_267 = arith.constant 0 : i32
      %dma_wait3A_268 = tpu.memref_slice %arg2[%dma_wait3A_266, %dma_wait3A_267] : memref<1000000x32xf32, #tpu.memory_space<hbm>> -> memref<1000000x32xf32, #tpu.memory_space<hbm>>
      tpu.wait_indirect_dma semaphore(%arg12 : memref<!tpu.dma_semaphore, #tpu.memory_space<semaphore_mem>>) src(%dma_wait3A_268 : memref<1000000x32xf32, #tpu.memory_space<hbm>>) dst(%dma_wait3A_263 : memref<128x32xf32, #tpu.memory_space<vmem>>)
      %dma_wait3A_269 = arith.constant 1152 : i32
      %dma_wait3A_270 = arith.constant 0 : i32
      %dma_wait3A_271 = tpu.memref_slice %arg8[%dma_wait3A_269, %dma_wait3A_270] : memref<1280x32xf32, #tpu.memory_space<vmem>> -> memref<128x32xf32, #tpu.memory_space<vmem>>
      %dma_wait3A_272 = arith.constant 1152 : i32
      %dma_wait3A_273 = tpu.memref_slice %arg6[%dma_wait3A_272] : memref<1280xi32, #tpu.memory_space<vmem>> -> memref<128xi32, #tpu.memory_space<vmem>>
      %dma_wait3A_274 = arith.constant 0 : i32
      %dma_wait3A_275 = arith.constant 0 : i32
      %dma_wait3A_276 = tpu.memref_slice %arg2[%dma_wait3A_274, %dma_wait3A_275] : memref<1000000x32xf32, #tpu.memory_space<hbm>> -> memref<1000000x32xf32, #tpu.memory_space<hbm>>
      tpu.wait_indirect_dma semaphore(%arg12 : memref<!tpu.dma_semaphore, #tpu.memory_space<semaphore_mem>>) src(%dma_wait3A_276 : memref<1000000x32xf32, #tpu.memory_space<hbm>>) dst(%dma_wait3A_271 : memref<128x32xf32, #tpu.memory_space<vmem>>)
      %scan3A_277 = arith.constant 0 : i32
      %scan3A_278 = arith.constant 64 : i32
      %scan3A_279 = arith.addi %scan3A_277, %scan3A_278 : i32
      %scan3A_280 = arith.constant 1 : i32
      scf.for %scan3A_285 = %scan3A_277 to %scan3A_279 step %scan3A_280  : i32 {
        %mul3A_286 = arith.constant 1 : i32
        %mul3A_287 = arith.muli %scan3A_285, %mul3A_286 : i32
        %add3A_288 = arith.constant 0 : i32
        %add3A_289 = arith.addi %add3A_288, %mul3A_287 : i32
        %mul3A_290 = arith.constant 20 : i32
        %mul3A_291 = arith.muli %add3A_289, %mul3A_290 : i32
        %get3A = arith.index_cast %mul3A_291 : i32 to index
        %get3A_292 = arith.constant 0 : index
        %get3A_293 = tpu.vector_load %arg8[%get3A, %get3A_292] {strides = array<i32>} : memref<1280x32xf32, #tpu.memory_space<vmem>>, vector<1x16xf32>,
        %get3A_294 = vector.shape_cast %get3A_293 : vector<1x16xf32> to vector<16xf32>
        %get3A_295 = arith.index_cast %mul3A_291 : i32 to index
        %get3A_296 = arith.constant 16 : index
        %get3A_297 = tpu.vector_load %arg8[%get3A_295, %get3A_296] {strides = array<i32>} : memref<1280x32xf32, #tpu.memory_space<vmem>>, vector<1x16xf32>,
        %get3A_298 = vector.shape_cast %get3A_297 : vector<1x16xf32> to vector<16xf32>
        %add3A_299 = arith.constant 1 : i32
        %add3A_300 = arith.addi %mul3A_291, %add3A_299 : i32
        %get3A_301 = arith.index_cast %add3A_300 : i32 to index
        %get3A_302 = arith.constant 0 : index
        %get3A_303 = tpu.vector_load %arg8[%get3A_301, %get3A_302] {strides = array<i32>} : memref<1280x32xf32, #tpu.memory_space<vmem>>, vector<1x16xf32>,
        %get3A_304 = vector.shape_cast %get3A_303 : vector<1x16xf32> to vector<16xf32>
        %add3A_305 = arith.addf %get3A_294, %get3A_304 : vector<16xf32>
        %add3A_306 = arith.constant 1 : i32
        %add3A_307 = arith.addi %mul3A_291, %add3A_306 : i32
        %get3A_308 = arith.index_cast %add3A_307 : i32 to index
        %get3A_309 = arith.constant 16 : index
        %get3A_310 = tpu.vector_load %arg8[%get3A_308, %get3A_309] {strides = array<i32>} : memref<1280x32xf32, #tpu.memory_space<vmem>>, vector<1x16xf32>,
        %get3A_311 = vector.shape_cast %get3A_310 : vector<1x16xf32> to vector<16xf32>
        %add3A_312 = arith.addf %get3A_298, %get3A_311 : vector<16xf32>
        %add3A_313 = arith.constant 2 : i32
        %add3A_314 = arith.addi %mul3A_291, %add3A_313 : i32
        %get3A_315 = arith.index_cast %add3A_314 : i32 to index
        %get3A_316 = arith.constant 0 : index
        %get3A_317 = tpu.vector_load %arg8[%get3A_315, %get3A_316] {strides = array<i32>} : memref<1280x32xf32, #tpu.memory_space<vmem>>, vector<1x16xf32>,
        %get3A_318 = vector.shape_cast %get3A_317 : vector<1x16xf32> to vector<16xf32>
        %add3A_319 = arith.addf %add3A_305, %get3A_318 : vector<16xf32>
        %add3A_320 = arith.constant 2 : i32
        %add3A_321 = arith.addi %mul3A_291, %add3A_320 : i32
        %get3A_322 = arith.index_cast %add3A_321 : i32 to index
        %get3A_323 = arith.constant 16 : index
        %get3A_324 = tpu.vector_load %arg8[%get3A_322, %get3A_323] {strides = array<i32>} : memref<1280x32xf32, #tpu.memory_space<vmem>>, vector<1x16xf32>,
        %get3A_325 = vector.shape_cast %get3A_324 : vector<1x16xf32> to vector<16xf32>
        %add3A_326 = arith.addf %add3A_312, %get3A_325 : vector<16xf32>
        %add3A_327 = arith.constant 3 : i32
        %add3A_328 = arith.addi %mul3A_291, %add3A_327 : i32
        %get3A_329 = arith.index_cast %add3A_328 : i32 to index
        %get3A_330 = arith.constant 0 : index
        %get3A_331 = tpu.vector_load %arg8[%get3A_329, %get3A_330] {strides = array<i32>} : memref<1280x32xf32, #tpu.memory_space<vmem>>, vector<1x16xf32>,
        %get3A_332 = vector.shape_cast %get3A_331 : vector<1x16xf32> to vector<16xf32>
        %add3A_333 = arith.addf %add3A_319, %get3A_332 : vector<16xf32>
        %add3A_334 = arith.constant 3 : i32
        %add3A_335 = arith.addi %mul3A_291, %add3A_334 : i32
        %get3A_336 = arith.index_cast %add3A_335 : i32 to index
        %get3A_337 = arith.constant 16 : index
        %get3A_338 = tpu.vector_load %arg8[%get3A_336, %get3A_337] {strides = array<i32>} : memref<1280x32xf32, #tpu.memory_space<vmem>>, vector<1x16xf32>,
        %get3A_339 = vector.shape_cast %get3A_338 : vector<1x16xf32> to vector<16xf32>
        %add3A_340 = arith.addf %add3A_326, %get3A_339 : vector<16xf32>
        %add3A_341 = arith.constant 4 : i32
        %add3A_342 = arith.addi %mul3A_291, %add3A_341 : i32
        %get3A_343 = arith.index_cast %add3A_342 : i32 to index
        %get3A_344 = arith.constant 0 : index
        %get3A_345 = tpu.vector_load %arg8[%get3A_343, %get3A_344] {strides = array<i32>} : memref<1280x32xf32, #tpu.memory_space<vmem>>, vector<1x16xf32>,
        %get3A_346 = vector.shape_cast %get3A_345 : vector<1x16xf32> to vector<16xf32>
        %add3A_347 = arith.addf %add3A_333, %get3A_346 : vector<16xf32>
        %add3A_348 = arith.constant 4 : i32
        %add3A_349 = arith.addi %mul3A_291, %add3A_348 : i32
        %get3A_350 = arith.index_cast %add3A_349 : i32 to index
        %get3A_351 = arith.constant 16 : index
        %get3A_352 = tpu.vector_load %arg8[%get3A_350, %get3A_351] {strides = array<i32>} : memref<1280x32xf32, #tpu.memory_space<vmem>>, vector<1x16xf32>,
        %get3A_353 = vector.shape_cast %get3A_352 : vector<1x16xf32> to vector<16xf32>
        %add3A_354 = arith.addf %add3A_340, %get3A_353 : vector<16xf32>
        %add3A_355 = arith.constant 5 : i32
        %add3A_356 = arith.addi %mul3A_291, %add3A_355 : i32
        %get3A_357 = arith.index_cast %add3A_356 : i32 to index
        %get3A_358 = arith.constant 0 : index
        %get3A_359 = tpu.vector_load %arg8[%get3A_357, %get3A_358] {strides = array<i32>} : memref<1280x32xf32, #tpu.memory_space<vmem>>, vector<1x16xf32>,
        %get3A_360 = vector.shape_cast %get3A_359 : vector<1x16xf32> to vector<16xf32>
        %add3A_361 = arith.addf %add3A_347, %get3A_360 : vector<16xf32>
        %add3A_362 = arith.constant 5 : i32
        %add3A_363 = arith.addi %mul3A_291, %add3A_362 : i32
        %get3A_364 = arith.index_cast %add3A_363 : i32 to index
        %get3A_365 = arith.constant 16 : index
        %get3A_366 = tpu.vector_load %arg8[%get3A_364, %get3A_365] {strides = array<i32>} : memref<1280x32xf32, #tpu.memory_space<vmem>>, vector<1x16xf32>,
        %get3A_367 = vector.shape_cast %get3A_366 : vector<1x16xf32> to vector<16xf32>
        %add3A_368 = arith.addf %add3A_354, %get3A_367 : vector<16xf32>
        %add3A_369 = arith.constant 6 : i32
        %add3A_370 = arith.addi %mul3A_291, %add3A_369 : i32
        %get3A_371 = arith.index_cast %add3A_370 : i32 to index
        %get3A_372 = arith.constant 0 : index
        %get3A_373 = tpu.vector_load %arg8[%get3A_371, %get3A_372] {strides = array<i32>} : memref<1280x32xf32, #tpu.memory_space<vmem>>, vector<1x16xf32>,
        %get3A_374 = vector.shape_cast %get3A_373 : vector<1x16xf32> to vector<16xf32>
        %add3A_375 = arith.addf %add3A_361, %get3A_374 : vector<16xf32>
        %add3A_376 = arith.constant 6 : i32
        %add3A_377 = arith.addi %mul3A_291, %add3A_376 : i32
        %get3A_378 = arith.index_cast %add3A_377 : i32 to index
        %get3A_379 = arith.constant 16 : index
        %get3A_380 = tpu.vector_load %arg8[%get3A_378, %get3A_379] {strides = array<i32>} : memref<1280x32xf32, #tpu.memory_space<vmem>>, vector<1x16xf32>,
        %get3A_381 = vector.shape_cast %get3A_380 : vector<1x16xf32> to vector<16xf32>
        %add3A_382 = arith.addf %add3A_368, %get3A_381 : vector<16xf32>
        %add3A_383 = arith.constant 7 : i32
        %add3A_384 = arith.addi %mul3A_291, %add3A_383 : i32
        %get3A_385 = arith.index_cast %add3A_384 : i32 to index
        %get3A_386 = arith.constant 0 : index
        %get3A_387 = tpu.vector_load %arg8[%get3A_385, %get3A_386] {strides = array<i32>} : memref<1280x32xf32, #tpu.memory_space<vmem>>, vector<1x16xf32>,
        %get3A_388 = vector.shape_cast %get3A_387 : vector<1x16xf32> to vector<16xf32>
        %add3A_389 = arith.addf %add3A_375, %get3A_388 : vector<16xf32>
        %add3A_390 = arith.constant 7 : i32
        %add3A_391 = arith.addi %mul3A_291, %add3A_390 : i32
        %get3A_392 = arith.index_cast %add3A_391 : i32 to index
        %get3A_393 = arith.constant 16 : index
        %get3A_394 = tpu.vector_load %arg8[%get3A_392, %get3A_393] {strides = array<i32>} : memref<1280x32xf32, #tpu.memory_space<vmem>>, vector<1x16xf32>,
        %get3A_395 = vector.shape_cast %get3A_394 : vector<1x16xf32> to vector<16xf32>
        %add3A_396 = arith.addf %add3A_382, %get3A_395 : vector<16xf32>
        %add3A_397 = arith.constant 8 : i32
        %add3A_398 = arith.addi %mul3A_291, %add3A_397 : i32
        %get3A_399 = arith.index_cast %add3A_398 : i32 to index
        %get3A_400 = arith.constant 0 : index
        %get3A_401 = tpu.vector_load %arg8[%get3A_399, %get3A_400] {strides = array<i32>} : memref<1280x32xf32, #tpu.memory_space<vmem>>, vector<1x16xf32>,
        %get3A_402 = vector.shape_cast %get3A_401 : vector<1x16xf32> to vector<16xf32>
        %add3A_403 = arith.addf %add3A_389, %get3A_402 : vector<16xf32>
        %add3A_404 = arith.constant 8 : i32
        %add3A_405 = arith.addi %mul3A_291, %add3A_404 : i32
        %get3A_406 = arith.index_cast %add3A_405 : i32 to index
        %get3A_407 = arith.constant 16 : index
        %get3A_408 = tpu.vector_load %arg8[%get3A_406, %get3A_407] {strides = array<i32>} : memref<1280x32xf32, #tpu.memory_space<vmem>>, vector<1x16xf32>,
        %get3A_409 = vector.shape_cast %get3A_408 : vector<1x16xf32> to vector<16xf32>
        %add3A_410 = arith.addf %add3A_396, %get3A_409 : vector<16xf32>
        %add3A_411 = arith.constant 9 : i32
        %add3A_412 = arith.addi %mul3A_291, %add3A_411 : i32
        %get3A_413 = arith.index_cast %add3A_412 : i32 to index
        %get3A_414 = arith.constant 0 : index
        %get3A_415 = tpu.vector_load %arg8[%get3A_413, %get3A_414] {strides = array<i32>} : memref<1280x32xf32, #tpu.memory_space<vmem>>, vector<1x16xf32>,
        %get3A_416 = vector.shape_cast %get3A_415 : vector<1x16xf32> to vector<16xf32>
        %add3A_417 = arith.addf %add3A_403, %get3A_416 : vector<16xf32>
        %add3A_418 = arith.constant 9 : i32
        %add3A_419 = arith.addi %mul3A_291, %add3A_418 : i32
        %get3A_420 = arith.index_cast %add3A_419 : i32 to index
        %get3A_421 = arith.constant 16 : index
        %get3A_422 = tpu.vector_load %arg8[%get3A_420, %get3A_421] {strides = array<i32>} : memref<1280x32xf32, #tpu.memory_space<vmem>>, vector<1x16xf32>,
        %get3A_423 = vector.shape_cast %get3A_422 : vector<1x16xf32> to vector<16xf32>
        %add3A_424 = arith.addf %add3A_410, %get3A_423 : vector<16xf32>
        %add3A_425 = arith.constant 10 : i32
        %add3A_426 = arith.addi %mul3A_291, %add3A_425 : i32
        %get3A_427 = arith.index_cast %add3A_426 : i32 to index
        %get3A_428 = arith.constant 0 : index
        %get3A_429 = tpu.vector_load %arg8[%get3A_427, %get3A_428] {strides = array<i32>} : memref<1280x32xf32, #tpu.memory_space<vmem>>, vector<1x16xf32>,
        %get3A_430 = vector.shape_cast %get3A_429 : vector<1x16xf32> to vector<16xf32>
        %add3A_431 = arith.addf %add3A_417, %get3A_430 : vector<16xf32>
        %add3A_432 = arith.constant 10 : i32
        %add3A_433 = arith.addi %mul3A_291, %add3A_432 : i32
        %get3A_434 = arith.index_cast %add3A_433 : i32 to index
        %get3A_435 = arith.constant 16 : index
        %get3A_436 = tpu.vector_load %arg8[%get3A_434, %get3A_435] {strides = array<i32>} : memref<1280x32xf32, #tpu.memory_space<vmem>>, vector<1x16xf32>,
        %get3A_437 = vector.shape_cast %get3A_436 : vector<1x16xf32> to vector<16xf32>
        %add3A_438 = arith.addf %add3A_424, %get3A_437 : vector<16xf32>
        %add3A_439 = arith.constant 11 : i32
        %add3A_440 = arith.addi %mul3A_291, %add3A_439 : i32
        %get3A_441 = arith.index_cast %add3A_440 : i32 to index
        %get3A_442 = arith.constant 0 : index
        %get3A_443 = tpu.vector_load %arg8[%get3A_441, %get3A_442] {strides = array<i32>} : memref<1280x32xf32, #tpu.memory_space<vmem>>, vector<1x16xf32>,
        %get3A_444 = vector.shape_cast %get3A_443 : vector<1x16xf32> to vector<16xf32>
        %add3A_445 = arith.addf %add3A_431, %get3A_444 : vector<16xf32>
        %add3A_446 = arith.constant 11 : i32
        %add3A_447 = arith.addi %mul3A_291, %add3A_446 : i32
        %get3A_448 = arith.index_cast %add3A_447 : i32 to index
        %get3A_449 = arith.constant 16 : index
        %get3A_450 = tpu.vector_load %arg8[%get3A_448, %get3A_449] {strides = array<i32>} : memref<1280x32xf32, #tpu.memory_space<vmem>>, vector<1x16xf32>,
        %get3A_451 = vector.shape_cast %get3A_450 : vector<1x16xf32> to vector<16xf32>
        %add3A_452 = arith.addf %add3A_438, %get3A_451 : vector<16xf32>
        %add3A_453 = arith.constant 12 : i32
        %add3A_454 = arith.addi %mul3A_291, %add3A_453 : i32
        %get3A_455 = arith.index_cast %add3A_454 : i32 to index
        %get3A_456 = arith.constant 0 : index
        %get3A_457 = tpu.vector_load %arg8[%get3A_455, %get3A_456] {strides = array<i32>} : memref<1280x32xf32, #tpu.memory_space<vmem>>, vector<1x16xf32>,
        %get3A_458 = vector.shape_cast %get3A_457 : vector<1x16xf32> to vector<16xf32>
        %add3A_459 = arith.addf %add3A_445, %get3A_458 : vector<16xf32>
        %add3A_460 = arith.constant 12 : i32
        %add3A_461 = arith.addi %mul3A_291, %add3A_460 : i32
        %get3A_462 = arith.index_cast %add3A_461 : i32 to index
        %get3A_463 = arith.constant 16 : index
        %get3A_464 = tpu.vector_load %arg8[%get3A_462, %get3A_463] {strides = array<i32>} : memref<1280x32xf32, #tpu.memory_space<vmem>>, vector<1x16xf32>,
        %get3A_465 = vector.shape_cast %get3A_464 : vector<1x16xf32> to vector<16xf32>
        %add3A_466 = arith.addf %add3A_452, %get3A_465 : vector<16xf32>
        %add3A_467 = arith.constant 13 : i32
        %add3A_468 = arith.addi %mul3A_291, %add3A_467 : i32
        %get3A_469 = arith.index_cast %add3A_468 : i32 to index
        %get3A_470 = arith.constant 0 : index
        %get3A_471 = tpu.vector_load %arg8[%get3A_469, %get3A_470] {strides = array<i32>} : memref<1280x32xf32, #tpu.memory_space<vmem>>, vector<1x16xf32>,
        %get3A_472 = vector.shape_cast %get3A_471 : vector<1x16xf32> to vector<16xf32>
        %add3A_473 = arith.addf %add3A_459, %get3A_472 : vector<16xf32>
        %add3A_474 = arith.constant 13 : i32
        %add3A_475 = arith.addi %mul3A_291, %add3A_474 : i32
        %get3A_476 = arith.index_cast %add3A_475 : i32 to index
        %get3A_477 = arith.constant 16 : index
        %get3A_478 = tpu.vector_load %arg8[%get3A_476, %get3A_477] {strides = array<i32>} : memref<1280x32xf32, #tpu.memory_space<vmem>>, vector<1x16xf32>,
        %get3A_479 = vector.shape_cast %get3A_478 : vector<1x16xf32> to vector<16xf32>
        %add3A_480 = arith.addf %add3A_466, %get3A_479 : vector<16xf32>
        %add3A_481 = arith.constant 14 : i32
        %add3A_482 = arith.addi %mul3A_291, %add3A_481 : i32
        %get3A_483 = arith.index_cast %add3A_482 : i32 to index
        %get3A_484 = arith.constant 0 : index
        %get3A_485 = tpu.vector_load %arg8[%get3A_483, %get3A_484] {strides = array<i32>} : memref<1280x32xf32, #tpu.memory_space<vmem>>, vector<1x16xf32>,
        %get3A_486 = vector.shape_cast %get3A_485 : vector<1x16xf32> to vector<16xf32>
        %add3A_487 = arith.addf %add3A_473, %get3A_486 : vector<16xf32>
        %add3A_488 = arith.constant 14 : i32
        %add3A_489 = arith.addi %mul3A_291, %add3A_488 : i32
        %get3A_490 = arith.index_cast %add3A_489 : i32 to index
        %get3A_491 = arith.constant 16 : index
        %get3A_492 = tpu.vector_load %arg8[%get3A_490, %get3A_491] {strides = array<i32>} : memref<1280x32xf32, #tpu.memory_space<vmem>>, vector<1x16xf32>,
        %get3A_493 = vector.shape_cast %get3A_492 : vector<1x16xf32> to vector<16xf32>
        %add3A_494 = arith.addf %add3A_480, %get3A_493 : vector<16xf32>
        %add3A_495 = arith.constant 15 : i32
        %add3A_496 = arith.addi %mul3A_291, %add3A_495 : i32
        %get3A_497 = arith.index_cast %add3A_496 : i32 to index
        %get3A_498 = arith.constant 0 : index
        %get3A_499 = tpu.vector_load %arg8[%get3A_497, %get3A_498] {strides = array<i32>} : memref<1280x32xf32, #tpu.memory_space<vmem>>, vector<1x16xf32>,
        %get3A_500 = vector.shape_cast %get3A_499 : vector<1x16xf32> to vector<16xf32>
        %add3A_501 = arith.addf %add3A_487, %get3A_500 : vector<16xf32>
        %add3A_502 = arith.constant 15 : i32
        %add3A_503 = arith.addi %mul3A_291, %add3A_502 : i32
        %get3A_504 = arith.index_cast %add3A_503 : i32 to index
        %get3A_505 = arith.constant 16 : index
        %get3A_506 = tpu.vector_load %arg8[%get3A_504, %get3A_505] {strides = array<i32>} : memref<1280x32xf32, #tpu.memory_space<vmem>>, vector<1x16xf32>,
        %get3A_507 = vector.shape_cast %get3A_506 : vector<1x16xf32> to vector<16xf32>
        %add3A_508 = arith.addf %add3A_494, %get3A_507 : vector<16xf32>
        %add3A_509 = arith.constant 16 : i32
        %add3A_510 = arith.addi %mul3A_291, %add3A_509 : i32
        %get3A_511 = arith.index_cast %add3A_510 : i32 to index
        %get3A_512 = arith.constant 0 : index
        %get3A_513 = tpu.vector_load %arg8[%get3A_511, %get3A_512] {strides = array<i32>} : memref<1280x32xf32, #tpu.memory_space<vmem>>, vector<1x16xf32>,
        %get3A_514 = vector.shape_cast %get3A_513 : vector<1x16xf32> to vector<16xf32>
        %add3A_515 = arith.addf %add3A_501, %get3A_514 : vector<16xf32>
        %add3A_516 = arith.constant 16 : i32
        %add3A_517 = arith.addi %mul3A_291, %add3A_516 : i32
        %get3A_518 = arith.index_cast %add3A_517 : i32 to index
        %get3A_519 = arith.constant 16 : index
        %get3A_520 = tpu.vector_load %arg8[%get3A_518, %get3A_519] {strides = array<i32>} : memref<1280x32xf32, #tpu.memory_space<vmem>>, vector<1x16xf32>,
        %get3A_521 = vector.shape_cast %get3A_520 : vector<1x16xf32> to vector<16xf32>
        %add3A_522 = arith.addf %add3A_508, %get3A_521 : vector<16xf32>
        %add3A_523 = arith.constant 17 : i32
        %add3A_524 = arith.addi %mul3A_291, %add3A_523 : i32
        %get3A_525 = arith.index_cast %add3A_524 : i32 to index
        %get3A_526 = arith.constant 0 : index
        %get3A_527 = tpu.vector_load %arg8[%get3A_525, %get3A_526] {strides = array<i32>} : memref<1280x32xf32, #tpu.memory_space<vmem>>, vector<1x16xf32>,
        %get3A_528 = vector.shape_cast %get3A_527 : vector<1x16xf32> to vector<16xf32>
        %add3A_529 = arith.addf %add3A_515, %get3A_528 : vector<16xf32>
        %add3A_530 = arith.constant 17 : i32
        %add3A_531 = arith.addi %mul3A_291, %add3A_530 : i32
        %get3A_532 = arith.index_cast %add3A_531 : i32 to index
        %get3A_533 = arith.constant 16 : index
        %get3A_534 = tpu.vector_load %arg8[%get3A_532, %get3A_533] {strides = array<i32>} : memref<1280x32xf32, #tpu.memory_space<vmem>>, vector<1x16xf32>,
        %get3A_535 = vector.shape_cast %get3A_534 : vector<1x16xf32> to vector<16xf32>
        %add3A_536 = arith.addf %add3A_522, %get3A_535 : vector<16xf32>
        %add3A_537 = arith.constant 18 : i32
        %add3A_538 = arith.addi %mul3A_291, %add3A_537 : i32
        %get3A_539 = arith.index_cast %add3A_538 : i32 to index
        %get3A_540 = arith.constant 0 : index
        %get3A_541 = tpu.vector_load %arg8[%get3A_539, %get3A_540] {strides = array<i32>} : memref<1280x32xf32, #tpu.memory_space<vmem>>, vector<1x16xf32>,
        %get3A_542 = vector.shape_cast %get3A_541 : vector<1x16xf32> to vector<16xf32>
        %add3A_543 = arith.addf %add3A_529, %get3A_542 : vector<16xf32>
        %add3A_544 = arith.constant 18 : i32
        %add3A_545 = arith.addi %mul3A_291, %add3A_544 : i32
        %get3A_546 = arith.index_cast %add3A_545 : i32 to index
        %get3A_547 = arith.constant 16 : index
        %get3A_548 = tpu.vector_load %arg8[%get3A_546, %get3A_547] {strides = array<i32>} : memref<1280x32xf32, #tpu.memory_space<vmem>>, vector<1x16xf32>,
        %get3A_549 = vector.shape_cast %get3A_548 : vector<1x16xf32> to vector<16xf32>
        %add3A_550 = arith.addf %add3A_536, %get3A_549 : vector<16xf32>
        %add3A_551 = arith.constant 19 : i32
        %add3A_552 = arith.addi %mul3A_291, %add3A_551 : i32
        %get3A_553 = arith.index_cast %add3A_552 : i32 to index
        %get3A_554 = arith.constant 0 : index
        %get3A_555 = tpu.vector_load %arg8[%get3A_553, %get3A_554] {strides = array<i32>} : memref<1280x32xf32, #tpu.memory_space<vmem>>, vector<1x16xf32>,
        %get3A_556 = vector.shape_cast %get3A_555 : vector<1x16xf32> to vector<16xf32>
        %add3A_557 = arith.addf %add3A_543, %get3A_556 : vector<16xf32>
        %add3A_558 = arith.constant 19 : i32
        %add3A_559 = arith.addi %mul3A_291, %add3A_558 : i32
        %get3A_560 = arith.index_cast %add3A_559 : i32 to index
        %get3A_561 = arith.constant 16 : index
        %get3A_562 = tpu.vector_load %arg8[%get3A_560, %get3A_561] {strides = array<i32>} : memref<1280x32xf32, #tpu.memory_space<vmem>>, vector<1x16xf32>,
        %get3A_563 = vector.shape_cast %get3A_562 : vector<1x16xf32> to vector<16xf32>
        %add3A_564 = arith.addf %add3A_550, %get3A_563 : vector<16xf32>
        %swap3A = arith.index_cast %add3A_289 : i32 to index
        %swap3A_565 = arith.constant 0 : index
        %swap3A_566 = tpu.vector_load %arg10[%swap3A, %swap3A_565] {strides = array<i32>} : memref<64x32xf32, #tpu.memory_space<vmem>>, vector<1x16xf32>,
        %swap3A_567 = vector.shape_cast %swap3A_566 : vector<1x16xf32> to vector<16xf32>
        %swap3A_568 = vector.shape_cast %add3A_557 : vector<16xf32> to vector<1x16xf32>
        tpu.vector_store %arg10[%swap3A, %swap3A_565], %swap3A_568 {strides = array<i32>} : memref<64x32xf32, #tpu.memory_space<vmem>>, vector<1x16xf32>,
        %swap3A_569 = arith.index_cast %add3A_289 : i32 to index
        %swap3A_570 = arith.constant 16 : index
        %swap3A_571 = tpu.vector_load %arg10[%swap3A_569, %swap3A_570] {strides = array<i32>} : memref<64x32xf32, #tpu.memory_space<vmem>>, vector<1x16xf32>,
        %swap3A_572 = vector.shape_cast %swap3A_571 : vector<1x16xf32> to vector<16xf32>
        %swap3A_573 = vector.shape_cast %add3A_564 : vector<16xf32> to vector<1x16xf32>
        tpu.vector_store %arg10[%swap3A_569, %swap3A_570], %swap3A_573 {strides = array<i32>} : memref<64x32xf32, #tpu.memory_space<vmem>>, vector<1x16xf32>,
      }
      %scan3A_281 = arith.constant 64 : i32
      %mul3A_282 = arith.constant 64 : i32
      %mul3A_283 = arith.muli %add3A_189, %mul3A_282 : i32
      %add3A_284 = arith.addi %mul3A_2, %mul3A_283 : i32
      "tpu.region"() ({
        %run_scoped3A = tpu.sem_alloc : memref<!tpu.dma_semaphore, #tpu.memory_space<semaphore_mem>>
        %dma_start3A_285 = arith.constant 0 : i32
        %dma_start3A_286 = tpu.memref_slice %arg4[%add3A_284, %dma_start3A_285] : memref<106496x32xf32, #tpu.memory_space<hbm>> -> memref<64x32xf32, #tpu.memory_space<hbm>>
        %dma_start3A_287 = arith.constant 0 : i32
        %dma_start3A_288 = tpu.memref_slice %arg4[%add3A_284, %dma_start3A_287] : memref<106496x32xf32, #tpu.memory_space<hbm>> -> memref<64x32xf32, #tpu.memory_space<hbm>>
        tpu.enqueue_dma source(%arg10 : memref<64x32xf32, #tpu.memory_space<vmem>>) target(%dma_start3A_288 : memref<64x32xf32, #tpu.memory_space<hbm>>) target_semaphore(%run_scoped3A : memref<!tpu.dma_semaphore, #tpu.memory_space<semaphore_mem>>)
        %dma_wait3A_289 = arith.constant 0 : i32
        %dma_wait3A_290 = tpu.memref_slice %arg4[%add3A_284, %dma_wait3A_289] : memref<106496x32xf32, #tpu.memory_space<hbm>> -> memref<64x32xf32, #tpu.memory_space<hbm>>
        %dma_wait3A_291 = arith.constant 0 : i32
        %dma_wait3A_292 = tpu.memref_slice %arg4[%add3A_284, %dma_wait3A_291] : memref<106496x32xf32, #tpu.memory_space<hbm>> -> memref<64x32xf32, #tpu.memory_space<hbm>>
        tpu.wait_dma2 semaphore(%run_scoped3A : memref<!tpu.dma_semaphore, #tpu.memory_space<semaphore_mem>>) src(%arg10 : memref<64x32xf32, #tpu.memory_space<vmem>>) dst(%dma_wait3A_292 : memref<64x32xf32, #tpu.memory_space<hbm>>)
        tpu.yield
      }) : () -> ()
    }
    %scan3A_89 = arith.constant 26 : i32
    return
  }
}

</mosaic_0001>

<sc_bundles>
// kernel: _run.3.cloned.1.call-start
scs
__scs_entry_jumppad:
0x0: {  	(pc) =	sbr.rel $0x88, $3  }
0x1: {  	(tag) =	ssettag $0x0;
	lr =	simm.s32 $0x1  }
0x2: {  	[smem:$0x3F9F] =	sst lr;
	_ =	strace $0xD0000000  }
0x3: {  	_ = 	snop  }
0x4: {  	_ = 	snop  }
0x5: {  	_ = 	snop  }
0x6: {  	_ = 	snop  }
0x7: {  	_ = 	snop  }
__scs_overlays_trampoline_lowered:
0x8: {  	[smem:$0x3FAE] =	sst s0  }
0x9: {  	[smem:$0x3FAF] =	sst s1  }
0xa: {  	[smem:$0x3FB0] =	sst s2  }
0xb: {  	[smem:$0x3FB1] =	sst s3  }
0xc: {  	[smem:$0x3FB2] =	sst s4  }
0xd: {  	[smem:$0x3FB3] =	sst s5  }
0xe: {  	[smem:$0x3FB4] =	sst s6  }
0xf: {  	[smem:$0x3FB5] =	sst s7  }
0x10: {  	[smem:$0x3FB6] =	sst s8  }
0x11: {  	[smem:$0x3FB7] =	sst s9;
	s0 =	simm.s32 @!p0 $0x0  }
0x12: {  	s1 =	sld [smem:$0x3F9D];
	s0 =	simm.s32 @p0 $0x1  }
0x13: {  	[smem:$0x3FB8] =	sst s0;
	s0 =	simm.s32 @!p1 $0x0  }
0x14: {  	s2 =	sld [smem:$0x3F9C];
	s0 =	simm.s32 @p1 $0x1  }
0x15: {  	[smem:$0x3FB9] =	sst s0;
	s0 =	simm.s32 @!p2 $0x0  }
0x16: {  	s3 =	sld [smem:$0x3FDB];
	s0 =	simm.s32 @p2 $0x1  }
0x17: {  	s4 =	simm.s32 $0x1BF5;
	[smem:$0x3FBB] =	sst s0  }
0x18: {  	s0 =	sld [smem:$0x3F9E];
	_ =	swait.ge [sflag:s4], $0x0  }
0x19: {  	s7 =	sld [smem:$0x3F9F]  }
0x1a: {  	s8 =	sadd.s32 $0xFFFFE003, lr  }
0x1b: {  	s9 =	sadd.s32 $0xFFFFFEF7, lr;
	s5 =	simm.s32 $0xFFFFFFFF;
	p2 =	slt.u32 s8, $0xFFFFF086  }
0x1c: {  	p1 =	slt.u32 s9, $0xF7A;
	s5 =	simm.s32 @!p2 $0x0  }
0x1d: {  	s5 =	simm.s32 @p1 $0x1;
	p0 =	seq.s32 s7, s2  }
0x1e: {  	s7 =	smul.u32 @!p0 $0xF7A, s2;
	p2 =	seq.s32 @!p0 s5, $0x0  }
0x1f: {  	s9 =	smul.u32 $0xF7A, s1;
	s8 =	simm.s32 @!p0 $0x1BF5;
	p2 =	por !p2, p0  }
0x20: {  	[sflag:s8] =	ssyncset.s32 @!p0 $0xFFFFF086;
	s6 =	sadd.s32 @!p0 s3, s7;
	s7 =	simm.s32 @!p0 $0x108  }
0x21: {  	s3 =	sadd.s32 s3, s9;
	s6 =	sadd.s32 @!p0 $0x88, s6;
	s7 =	simm.s32 @p2 $0x1082  }
0x22: {  	[simem:s7], [sflag:s8] =	dma.local @!p0 [hbm:s6], $0xF7A  }
0x23: {  	s9 =	sor.u32 $0xD0000000, s2;
	s6 =	simm.s32 $0x108;
	_ =	swait.ge @!p0 [sflag:s8], $0x0  }
0x24: {  	s3 =	sadd.s32 $0x88, s3;
	s6 =	simm.s32 @!p1 $0x1082;
	[sflag:s4] =	ssyncset.s32 $0xFFFFF086  }
0x25: {  	[simem:s6], [sflag:s4] =	dma.local [hbm:s3], $0xF7A  }
0x26: {  	[smem:$0x3F9F] =	sst s1;
	(tag) =	ssettag s2;
	_ =	strace s9  }
0x27: {  	s1 =	sld [smem:$0x3FAF]  }
0x28: {  	s2 =	sld [smem:$0x3FB0]  }
0x29: {  	s4 =	sld [smem:$0x3FB2]  }
0x2a: {  	p0 =	seq.s32 s5, $0x0;
	s5 =	sld [smem:$0x3FB3]  }
0x2b: {  	s6 =	sld [smem:$0x3FB4]  }
0x2c: {  	s7 =	sld [smem:$0x3FB5]  }
0x2d: {  	s3 =	simm.s32 $0x108;
	s8 =	sld [smem:$0x3FB6]  }
0x2e: {  	s3 =	simm.s32 @!p0 $0x1082;
	s9 =	sld [smem:$0x3FB7]  }
0x2f: {  	lr =	sadd.s32 s0, s3;
	s0 =	sld [smem:$0x3FAE]  }
0x30: {  	s3 =	sld [smem:$0x3FB1]  }
0x31: {  	[smem:$0x3FBA] =	sst s10  }
0x32: {  	s10 =	sld [smem:$0x3FB8];
	_ =	sdelay $0x3  }
0x33: {  	p0 =	seq.s32 s10, $0x1;
	s10 =	sld [smem:$0x3FBA];
	_ =	sdelay $0x3  }
0x34: {  	[smem:$0x3FBA] =	sst s10  }
0x35: {  	s10 =	sld [smem:$0x3FB9];
	_ =	sdelay $0x3  }
0x36: {  	p1 =	seq.s32 s10, $0x1;
	s10 =	sld [smem:$0x3FBA];
	_ =	sdelay $0x3  }
0x37: {  	[smem:$0x3FBA] =	sst s10  }
0x38: {  	s10 =	sld [smem:$0x3FBB]  }
0x39: {  	_ = 	snop;
	(pc) =	sbr.ind lr, $3  }
0x3a: {  	_ = 	snop  }
0x3b: {  	_ = 	snop  }
0x3c: {  	p2 =	seq.s32 s10, $0x1;
	s10 =	sld [smem:$0x3FBA]  }
0x3d: {  	_ =	shalt  }
0x3e: {  	_ =	shalt  }
0x3f: {  	_ =	shalt  }
0x40: {  	_ =	shalt  }
0x41: {  	_ =	shalt  }
0x42: {  	_ =	shalt  }
0x43: {  	_ =	shalt  }
0x44: {  	_ =	shalt  }
0x45: {  	_ =	shalt  }
0x46: {  	_ =	shalt  }
0x47: {  	_ =	shalt  }
0x48: {  	_ =	shalt  }
0x49: {  	_ =	shalt  }
0x4a: {  	_ =	shalt  }
0x4b: {  	_ =	shalt  }
0x4c: {  	_ =	shalt  }
0x4d: {  	_ =	shalt  }
0x4e: {  	_ =	shalt  }
0x4f: {  	_ =	shalt  }
0x50: {  	_ =	shalt  }
0x51: {  	_ =	shalt  }
0x52: {  	_ =	shalt  }
0x53: {  	_ =	shalt  }
0x54: {  	_ =	shalt  }
0x55: {  	_ =	shalt  }
0x56: {  	_ =	shalt  }
0x57: {  	_ =	shalt  }
0x58: {  	_ =	shalt  }
0x59: {  	_ =	shalt  }
0x5a: {  	_ =	shalt  }
0x5b: {  	_ =	shalt  }
0x5c: {  	_ =	shalt  }
0x5d: {  	_ =	shalt  }
0x5e: {  	_ =	shalt  }
0x5f: {  	_ =	shalt  }
0x60: {  	_ =	shalt  }
0x61: {  	_ =	shalt  }
0x62: {  	_ =	shalt  }
0x63: {  	_ =	shalt  }
0x64: {  	_ =	shalt  }
0x65: {  	_ =	shalt  }
0x66: {  	_ =	shalt  }
0x67: {  	_ =	shalt  }
0x68: {  	_ =	shalt  }
0x69: {  	_ =	shalt  }
0x6a: {  	_ =	shalt  }
0x6b: {  	_ =	shalt  }
0x6c: {  	_ =	shalt  }
0x6d: {  	_ =	shalt  }
0x6e: {  	_ =	shalt  }
0x6f: {  	_ =	shalt  }
0x70: {  	_ =	shalt  }
0x71: {  	_ =	shalt  }
0x72: {  	_ =	shalt  }
0x73: {  	_ =	shalt  }
0x74: {  	_ =	shalt  }
0x75: {  	_ =	shalt  }
0x76: {  	_ =	shalt  }
0x77: {  	_ =	shalt  }
0x78: {  	_ =	shalt  }
0x79: {  	_ =	shalt  }
0x7a: {  	_ =	shalt  }
0x7b: {  	_ =	shalt  }
0x7c: {  	_ =	shalt  }
0x7d: {  	_ =	shalt  }
0x7e: {  	_ =	shalt  }
0x7f: {  	_ =	shalt  }
0x80: {  	_ =	shalt  }
0x81: {  	_ =	shalt  }
0x82: {  	_ =	shalt  }
0x83: {  	_ =	shalt  }
0x84: {  	_ =	shalt  }
0x85: {  	_ =	shalt  }
0x86: {  	_ =	shalt  }
0x87: {  	_ =	shalt  }
.Lfunc_end0:
.L_simem_size_0:
called_computation_lowered:
.L_overlay_start_0:
0x88: {  	s2 =	sld [smem:$0x3FD9]  }
0x89: {  	s3 =	sld [smem:$0x3FFE];
	_ =	sdelay $0x1  }
0x8a: {  	s1 =	srdreg.scid  }
0x8b: {  	s0 =	sand.u32 $0x1, s1  }
0x8c: {  	s18 =	sshll.u32 s0, $0xA;
	s2 =	sadd.s32 s3, s2  }
0x8d: {  	s2 =	sadd.s32 s2, s18  }
0x8e: {  	[smem:$0x3FC6] =	sst s2  }
0x8f: {  	_ = 	snop  }
0x90: {  	s2 =	sld [smem:$0x3FC9]  }
0x91: {  	s19 =	sld [smem:$0x3FC8]  }
0x92: {  	s4 =	sld [smem:$0x3FD0];
	(tm) =	ssettm $0x1  }
0x93: {  	s5 =	sld [smem:$0x3FFB];
	_ =	sdelay $0x3  }
0x94: {  	_ =	strace s5  }
0x95: {  	s5 =	sld [smem:$0x3FFC];
	_ =	sdelay $0x3  }
0x96: {  	_ =	strace s5  }
0x97: {  	s5 =	sld [smem:$0x3FFD];
	_ =	sdelay $0x3  }
0x98: {  	_ =	strace s5  }
0x99: {  	_ =	strace $0x8FFFFFFF  }
0x9a: {  	s20 =	sld [smem:$0x3FDB];
	_ =	sdelay $0x1  }
0x9b: {  	s6 =	simm.s32 $_scs_section_size  }
0x9c: {  	s7 =	simm.s32 $_size__tile_overlayer_lowered;
	s8 =	simm.s32 $_tile_overlayer_lowered  }
0x9d: {  	s23 =	simm.s32 $0x1BFF;
	s22 =	sshll.u32 s8, $0x1;
	s5 =	sadd.s32 s6, s20  }
0x9e: {  	s9 =	simm.s32 $0x0;
	s21 =	sshll.u32 s7, $0x1;
	s7 =	sadd.s32 s22, s5  }
0x9f: {  	[timem:s9], [sflag:s23] =	dma.local [hbm:s7], s21  }
0xa0: {  	_ =	swait.ge [sflag:s23], s21  }
0xa1: {  	s6 =	ssub.s32 $0x0, s21;
	[sflag:s23] =	ssyncset.done $0x0  }
0xa2: {  	[sflag:s23] =	ssyncadd.s32 s6;
	_ =	sdelay $0x1  }
0xa3: {  	s24 =	simm.s32 $0x1B8B  }
0xa4: {  	_ =	swait.ge [sflag:s24], $0x1  }
0xa5: {  	[sflag:s24] =	ssyncset.done $0x0  }
0xa6: {  	s25 =	simm.s32 $0x1B8E;
	[sflag:s24] =	ssyncadd.s32 $0xFFFFFFFF  }
0xa7: {  	s26 =	simm.s32 $execute0_lowered;
	[smem:$0x3FD2] =	sst s25  }
0xa8: {  	s6 =	sshll.u32 s26, $0x1;
	_ =	strace $0x80000046;
	[dreg:$0x1] =	wrdreg $0xFFFFFFFF  }
0xa9: {  	s28 =	simm.s32 $_size_execute0_lowered;
	s5 =	sadd.s32 s5, s6;
	[dreg:$0x0] =	wrdreg $0x0  }
0xaa: {  	s6 =	sshll.u32 s28, $0x1;
	[dreg:$0x2] =	wrdreg s5  }
0xab: {  	[dreg:$0x3] =	wrdreg s6  }
0xac: {  	[dreg:$0x4] =	wrdreg $0xC0  }
0xad: {  	_ =	task [dreg:s9], $0x5FFFF  }
0xae: {  	[dreg:$0x1] =	wrdreg $0xFFFFFFFF  }
0xaf: {  	[dreg:$0x0] =	wrdreg $0x60  }
0xb0: {  	[dreg:$0x2] =	wrdreg s19  }
0xb1: {  	[dreg:$0x3] =	wrdreg s2  }
0xb2: {  	[dreg:$0x4] =	wrdreg s4  }
0xb3: {  	[dreg:$0x5] =	wrdreg $0x9  }
0xb4: {  	_ =	task.clear_ibuf [dreg:s9], $0x6FFFF;
	_ =	strace $0x90000046  }
0xb5: {  	s29 =	simm.s32 $0x9;
	_ =	strace $0x80000048  }
0xb6: {  	_ =	swait.ge [sflag:s29], $0x1  }
0xb7: {  	[sflag:s29] =	ssyncadd.s32 $0xFFFFFFFF  }
0xb8: {  	_ =	strace $0x90000048  }
0xb9: {  	_ =	sfence  }
0xba: {  	s30 =	sld [smem:$0x0];
	_ =	sdelay $0x2  }
0xbb: {  	s31 =	sshll.u32 s1, $0xD;
	s1 =	sshrl.u32 s1, $0x2  }
0xbc: {  	s3 =	sand.u32 $0x4000, s31;
	s1 =	sadd.s32 s1, s30  }
0xbd: {  	s0 =	sor.u32 s3, s0;
	s1 =	sshll.u32 s1, $0x11  }
0xbe: {  	s0 =	sor.u32 s1, s0  }
0xbf: {  	s0 =	sadd.s32 $0x8F2B, s0  }
0xc0: {  	[sflag:s0] =	ssyncadd.remote.s32 $0x1  }
0xc1: {  	_ =	sfence.sel $0xFFFF  }
0xc2: {  	[dreg:$0x0] =	wrdreg $0xFFFFFFFF;
	(pc) =	sbr.abs _section_cstart, $3  }
0xc3: {  	[dreg:$0x1] =	wrdreg $0xFFFFFFFF  }
0xc4: {  	_ =	task.clear_ibuf [dreg:s9], $0x2FFFF;
	_ =	strace $0x9FFFFFFF  }
0xc5: {  	(tm) =	ssettm $0x7FFFFFFF  }
tec
execute0_lowered:
.L_overlay_start_1:
0x0: {  	(tag) =	ssettag $0x1  }
0x1: {  	s1 =	rddreg [dreg:$0x0]  }
0x2: {  	s0 =	srdreg.scid;
	s3 =	rddreg [dreg:$0x1]  }
0x3: {  	s2 =	stileid.u32;
	s4 =	rddreg [dreg:$0x2];
	s6 =	simm.s32 $0x0  }
0x4: {  	s11 =	simm.s32 $0x3;
	s12 =	simm.s32 $0x80;
	s19 =	simm.s32 $0x700  }
0x5: {  	s20 =	simm.s32 $0xEA00;
	s21 =	simm.s32 $0x780;
	s22 =	simm.s32 $0xFA00  }
0x6: {  	s23 =	simm.s32 $0x800;
	s24 =	simm.s32 $0x10A00;
	s25 =	simm.s32 $0x880  }
0x7: {  	s28 =	simm.s32 $0x900;
	s29 =	simm.s32 $0x12A00;
	s30 =	simm.s32 $0x980  }
0x8: {  	s31 =	simm.s32 $0x13A00;
	s0 =	sand.u32 $0x1, s0;
	s2 =	sshll.u32 s2, $0x1  }
0x9: {  	s10 =	simm.s32 $0x14A00;
	s13 =	simm.s32 $0x15200;
	s2 =	sor.u32 s0, s2  }
0xa: {  	[smem:$0x7FF] =	sst s6;
	s0 =	ssub.s32 $0x2, s0;
	s5 =	smul.u32 $0x10400, s2  }
0xb: {  	s15 =	simm.s32 $0x0;
	_ =	strace $0x80000047;
	s7 =	sshrl.u32 s0, $0x1  }
0xc: {  	s0 =	ssub.s32 s0, s7;
	s7 =	simm.s32 $0x1;
	s8 =	sshrl.u32 s5, $0x3  }
0xd: {  	s9 =	sadd.s32 $0xA00, s5;
	s0 =	smax.u32 s0, $0x1;
	s26 =	sadd.s32 s3, s8  }
0xe: {  	s8 =	smul.u32 $0x1A000, s2;
	[dreg:$0x5] =	wrdreg s0;
	s2 =	simm.s32 $0x500  }
0xf: {  	s0 =	simm.s32 $0x2;
	[dreg:$0x4] =	wrdreg s26;
	s26 =	simm.s32 $0x11A00  }
.LBB2_1:
0x10: {  	[dreg:$0x6] =	wrdreg s15  }
0x11: {  	s14 =	rddreg [dreg:$0x4]  }
0x12: {  	[tilespmem:s6], [sflag:$0x3] =	stream.linear.gather [hbm4b:s14+s6], $0x500, $0x38;
	[tilespmem:$0x15A00] =	vst v63  }
0x13: {  	_ =	swait.ge [sflag:s11], $0x500  }
0x14: {  	[sflag:s11] =	ssyncset.done $0x0  }
0x15: {  	s17 =	simm.s32 $0xA00;
	[sflag:s11] =	ssyncadd.s32 $0xFFFFFB00  }
0x16: {  	[tilespmem:s17], [sflag:$0x1] =	stream.indirect.gather [hbm4b:s1+s12], $0x20, s6, s12, $0xb8;
	[tilespmem:$0x15A00] =	vst v63  }
0x17: {  	s18 =	simm.s32 $0x1A00  }
0x18: {  	[tilespmem:s18], [sflag:$0x1] =	stream.indirect.gather [hbm4b:s1+s12], $0x20, s12, s12, $0xb8;
	[tilespmem:$0x15A00] =	vst v63  }
0x19: {  	s15 =	simm.s32 $0x100;
	s16 =	simm.s32 $0x2A00  }
0x1a: {  	[tilespmem:s16], [sflag:$0x1] =	stream.indirect.gather [hbm4b:s1+s12], $0x20, s15, s12, $0xb8;
	[tilespmem:$0x15A00] =	vst v63  }
0x1b: {  	s17 =	simm.s32 $0x180;
	s18 =	simm.s32 $0x3A00  }
0x1c: {  	[tilespmem:s18], [sflag:$0x1] =	stream.indirect.gather [hbm4b:s1+s12], $0x20, s17, s12, $0xb8;
	[tilespmem:$0x15A00] =	vst v63  }
0x1d: {  	s15 =	simm.s32 $0x200;
	s16 =	simm.s32 $0x4A00  }
0x1e: {  	[tilespmem:s16], [sflag:$0x1] =	stream.indirect.gather [hbm4b:s1+s12], $0x20, s15, s12, $0xb8;
	[tilespmem:$0x15A00] =	vst v63  }
0x1f: {  	s17 =	simm.s32 $0x280;
	s18 =	simm.s32 $0x5A00  }
0x20: {  	[tilespmem:s18], [sflag:$0x1] =	stream.indirect.gather [hbm4b:s1+s12], $0x20, s17, s12, $0xb8;
	[tilespmem:$0x15A00] =	vst v63  }
0x21: {  	s15 =	simm.s32 $0x300;
	s16 =	simm.s32 $0x6A00  }
0x22: {  	[tilespmem:s16], [sflag:$0x1] =	stream.indirect.gather [hbm4b:s1+s12], $0x20, s15, s12, $0xb8;
	[tilespmem:$0x15A00] =	vst v63  }
0x23: {  	s17 =	simm.s32 $0x380;
	s18 =	simm.s32 $0x7A00  }
0x24: {  	[tilespmem:s18], [sflag:$0x1] =	stream.indirect.gather [hbm4b:s1+s12], $0x20, s17, s12, $0xb8;
	[tilespmem:$0x15A00] =	vst v63  }
0x25: {  	s15 =	simm.s32 $0x400;
	s16 =	simm.s32 $0x8A00  }
0x26: {  	[tilespmem:s16], [sflag:$0x1] =	stream.indirect.gather [hbm4b:s1+s12], $0x20, s15, s12, $0xb8;
	[tilespmem:$0x15A00] =	vst v63  }
0x27: {  	s14 =	simm.s32 $0x0;
	s17 =	simm.s32 $0x480;
	s18 =	simm.s32 $0x9A00  }
0x28: {  	[tilespmem:s18], [sflag:$0x1] =	stream.indirect.gather [hbm4b:s1+s12], $0x20, s17, s12, $0xb8;
	[tilespmem:$0x15A00] =	vst v63  }
.LBB2_2:
0x29: {  	s15 =	sshllo.u32 s14, $0x1  }
0x2a: {  	s16 =	smul.u32 $0x500, s15;
	_ =	sdelay $0x1  }
0x2b: {  	s16 =	sadd.s32 s5, s16  }
0x2c: {  	s16 =	sshrl.u32 s16, $0x3  }
0x2d: {  	s17 =	simm.s32 $0x0;
	s16 =	sadd.s32 s3, s16  }
0x2e: {  	[tilespmem:s2], [sflag:$0x3] =	stream.linear.gather [hbm4b:s16+s17], $0x500, $0x38;
	[tilespmem:$0x15A00] =	vst v63  }
0x2f: {  	_ =	swait.ge [sflag:s11], $0x500  }
0x30: {  	[sflag:s11] =	ssyncset.done $0x0  }
0x31: {  	s18 =	simm.s32 $0xAA00;
	[sflag:s11] =	ssyncadd.s32 $0xFFFFFB00  }
0x32: {  	[tilespmem:s18], [sflag:$0x2] =	stream.indirect.gather [hbm4b:s1+s12], $0x20, s2, s12, $0xb8;
	[tilespmem:$0x15A00] =	vst v63  }
0x33: {  	s17 =	simm.s32 $0x580;
	s18 =	simm.s32 $0xBA00  }
0x34: {  	[tilespmem:s18], [sflag:$0x2] =	stream.indirect.gather [hbm4b:s1+s12], $0x20, s17, s12, $0xb8;
	[tilespmem:$0x15A00] =	vst v63  }
0x35: {  	s17 =	simm.s32 $0x600;
	s18 =	simm.s32 $0xCA00  }
0x36: {  	[tilespmem:s18], [sflag:$0x2] =	stream.indirect.gather [hbm4b:s1+s12], $0x20, s17, s12, $0xb8;
	[tilespmem:$0x15A00] =	vst v63  }
0x37: {  	s17 =	simm.s32 $0x680;
	s18 =	simm.s32 $0xDA00  }
0x38: {  	[tilespmem:s18], [sflag:$0x2] =	stream.indirect.gather [hbm4b:s1+s12], $0x20, s17, s12, $0xb8;
	[tilespmem:$0x15A00] =	vst v63  }
0x39: {  	_ = 	snop  }
0x3a: {  	[tilespmem:s20], [sflag:$0x2] =	stream.indirect.gather [hbm4b:s1+s12], $0x20, s19, s12, $0xb8;
	[tilespmem:$0x15A00] =	vst v63  }
0x3b: {  	_ = 	snop  }
0x3c: {  	[tilespmem:s22], [sflag:$0x2] =	stream.indirect.gather [hbm4b:s1+s12], $0x20, s21, s12, $0xb8;
	[tilespmem:$0x15A00] =	vst v63  }
0x3d: {  	_ = 	snop  }
0x3e: {  	[tilespmem:s24], [sflag:$0x2] =	stream.indirect.gather [hbm4b:s1+s12], $0x20, s23, s12, $0xb8;
	[tilespmem:$0x15A00] =	vst v63  }
0x3f: {  	_ = 	snop  }
0x40: {  	[tilespmem:s26], [sflag:$0x2] =	stream.indirect.gather [hbm4b:s1+s12], $0x20, s25, s12, $0xb8;
	[tilespmem:$0x15A00] =	vst v63  }
0x41: {  	_ = 	snop  }
0x42: {  	[tilespmem:s29], [sflag:$0x2] =	stream.indirect.gather [hbm4b:s1+s12], $0x20, s28, s12, $0xb8;
	[tilespmem:$0x15A00] =	vst v63  }
0x43: {  	_ = 	snop  }
0x44: {  	[tilespmem:s31], [sflag:$0x2] =	stream.indirect.gather [hbm4b:s1+s12], $0x20, s30, s12, $0xb8;
	[tilespmem:$0x15A00] =	vst v63  }
0x45: {  	_ =	swait.ge [sflag:s7], $0x1000  }
0x46: {  	[sflag:s7] =	ssyncset.done $0x0  }
0x47: {  	[sflag:s7] =	ssyncadd.s32 $0xFFFFF000  }
0x48: {  	_ =	swait.ge [sflag:s7], $0x1000  }
0x49: {  	[sflag:s7] =	ssyncset.done $0x0  }
0x4a: {  	[sflag:s7] =	ssyncadd.s32 $0xFFFFF000  }
0x4b: {  	_ =	swait.ge [sflag:s7], $0x1000  }
0x4c: {  	[sflag:s7] =	ssyncset.done $0x0  }
0x4d: {  	[sflag:s7] =	ssyncadd.s32 $0xFFFFF000  }
0x4e: {  	_ =	swait.ge [sflag:s7], $0x1000  }
0x4f: {  	[sflag:s7] =	ssyncset.done $0x0  }
0x50: {  	[sflag:s7] =	ssyncadd.s32 $0xFFFFF000  }
0x51: {  	_ =	swait.ge [sflag:s7], $0x1000  }
0x52: {  	[sflag:s7] =	ssyncset.done $0x0  }
0x53: {  	[sflag:s7] =	ssyncadd.s32 $0xFFFFF000  }
0x54: {  	_ =	swait.ge [sflag:s7], $0x1000  }
0x55: {  	[sflag:s7] =	ssyncset.done $0x0  }
0x56: {  	[sflag:s7] =	ssyncadd.s32 $0xFFFFF000  }
0x57: {  	_ =	swait.ge [sflag:s7], $0x1000  }
0x58: {  	[sflag:s7] =	ssyncset.done $0x0  }
0x59: {  	[sflag:s7] =	ssyncadd.s32 $0xFFFFF000  }
0x5a: {  	_ =	swait.ge [sflag:s7], $0x1000  }
0x5b: {  	[sflag:s7] =	ssyncset.done $0x0  }
0x5c: {  	[sflag:s7] =	ssyncadd.s32 $0xFFFFF000  }
0x5d: {  	_ =	swait.ge [sflag:s7], $0x1000  }
0x5e: {  	[sflag:s7] =	ssyncset.done $0x0  }
0x5f: {  	[sflag:s7] =	ssyncadd.s32 $0xFFFFF000  }
0x60: {  	_ =	swait.ge [sflag:s7], $0x1000  }
0x61: {  	[sflag:s7] =	ssyncset.done $0x0  }
0x62: {  	s16 =	simm.s32 $0xB40;
	[sflag:s7] =	ssyncadd.s32 $0xFFFFF000  }
0x63: {  	v0 =	vld [tilespmem:s16+$0xFFFFFEF0]  }
0x64: {  	v1 =	vld [tilespmem:s16+$0xFFFFFEC0]  }
0x65: {  	v2 =	vld [tilespmem:s16+$0xFFFFFEE0]  }
0x66: {  	v3 =	vld [tilespmem:s16+$0xFFFFFED0]  }
0x67: {  	v4 =	vld [tilespmem:s16+$0xFFFFFF00]  }
0x68: {  	v5 =	vld [tilespmem:s16+$0xFFFFFF10]  }
0x69: {  	v6 =	vld [tilespmem:s16+$0xFFFFFF20]  }
0x6a: {  	v7 =	vld [tilespmem:s16+$0xFFFFFF40];
	v1 =	vadd.f32 v2, v1  }
0x6b: {  	v2 =	vld [tilespmem:s16+$0xFFFFFF30]  }
0x6c: {  	v44 =	vld [tilespmem:s16+$0xFFFFFF60];
	v0 =	vadd.f32 v0, v3;
	v1 =	vadd.f32 v4, v1  }
0x6d: {  	v3 =	vld [tilespmem:s16+$0xFFFFFF50]  }
0x6e: {  	v45 =	vld [tilespmem:s16+$0xFFFFFF70];
	v0 =	vadd.f32 v5, v0;
	v1 =	vadd.f32 v6, v1  }
0x6f: {  	v46 =	vld [tilespmem:s16+$0xFFFFFF80]  }
0x70: {  	v47 =	vld [tilespmem:s16+$0xFFFFFFA0];
	v0 =	vadd.f32 v2, v0;
	v1 =	vadd.f32 v7, v1  }
0x71: {  	v2 =	vld [tilespmem:s16+$0xFFFFFF90]  }
0x72: {  	v48 =	vld [tilespmem:s16+$0xFFFFFFC0];
	v0 =	vadd.f32 v3, v0;
	v1 =	vadd.f32 v44, v1  }
0x73: {  	v3 =	vld [tilespmem:s16+$0xFFFFFFB0]  }
0x74: {  	v49 =	vld [tilespmem:s16+$0xFFFFFFD0];
	v0 =	vadd.f32 v45, v0;
	v1 =	vadd.f32 v46, v1  }
0x75: {  	v50 =	vld [tilespmem:s16+$0xFFFFFFE0]  }
0x76: {  	v51 =	vld [tilespmem:s16+$0x0];
	v0 =	vadd.f32 v2, v0;
	v1 =	vadd.f32 v47, v1  }
0x77: {  	v2 =	vld [tilespmem:s16+$0xFFFFFFF0]  }
0x78: {  	v52 =	vld [tilespmem:s16+$0x20];
	v0 =	vadd.f32 v3, v0;
	v1 =	vadd.f32 v48, v1  }
0x79: {  	v3 =	vld [tilespmem:s16+$0x10]  }
0x7a: {  	v53 =	vld [tilespmem:s16+$0x30];
	v0 =	vadd.f32 v49, v0;
	v1 =	vadd.f32 v50, v1  }
0x7b: {  	v54 =	vld [tilespmem:s16+$0x40]  }
0x7c: {  	v55 =	vld [tilespmem:s16+$0x60];
	v0 =	vadd.f32 v2, v0;
	v1 =	vadd.f32 v51, v1  }
0x7d: {  	v2 =	vld [tilespmem:s16+$0x50]  }
0x7e: {  	v56 =	vld [tilespmem:s16+$0x80];
	v0 =	vadd.f32 v3, v0;
	v1 =	vadd.f32 v52, v1  }
0x7f: {  	v3 =	vld [tilespmem:s16+$0x70]  }
0x80: {  	v57 =	vld [tilespmem:s16+$0x90];
	v0 =	vadd.f32 v53, v0;
	v1 =	vadd.f32 v54, v1  }
0x81: {  	v58 =	vld [tilespmem:s16+$0xA0]  }
0x82: {  	v59 =	vld [tilespmem:s16+$0xC0];
	v0 =	vadd.f32 v2, v0;
	v1 =	vadd.f32 v55, v1  }
0x83: {  	v2 =	vld [tilespmem:s16+$0xB0]  }
0x84: {  	v60 =	vld [tilespmem:s16+$0xE0];
	v0 =	vadd.f32 v3, v0;
	v1 =	vadd.f32 v56, v1  }
0x85: {  	v3 =	vld [tilespmem:s16+$0xD0]  }
0x86: {  	v61 =	vld [tilespmem:s16+$0xF0];
	v0 =	vadd.f32 v57, v0;
	v1 =	vadd.f32 v58, v1  }
0x87: {  	v62 =	vld [tilespmem:s16+$0x100]  }
0x88: {  	v63 =	vld [tilespmem:s16+$0x120];
	v0 =	vadd.f32 v2, v0;
	v1 =	vadd.f32 v59, v1  }
0x89: {  	v2 =	vld [tilespmem:s16+$0x110]  }
0x8a: {  	v0 =	vadd.f32 v3, v0;
	v1 =	vadd.f32 v60, v1  }
0x8b: {  	v3 =	vld [tilespmem:s16+$0x130]  }
0x8c: {  	v0 =	vadd.f32 v61, v0;
	v1 =	vadd.f32 v62, v1;
	_ =	sdelay $0x1  }
0x8d: {  	v0 =	vadd.f32 v2, v0;
	v1 =	vadd.f32 v63, v1  }
0x8e: {  	s18 =	simm.s32 $0x0  }
0x8f: {  	s17 =	simm.s32 $0x80;
	v0 =	vadd.f32 v3, v0;
	[tilespmem:s18+$0x14A00] =	vst v1  }
.LBB2_3:
0x90: {  	p0 =	sne.s32 s17, $0x1F80  }
0x91: {  	[tilespmem:s18+$0x14A10] =	vst v0;
	s16 =	sadd.s32 $0x280, s16;
	s18 =	smov.u32 s17;
	s17 =	sadd.s32 $0x80, s17  }
0x92: {  	v0 =	vld [tilespmem:s16+$0xFFFFFEF0]  }
0x93: {  	v1 =	vld [tilespmem:s16+$0xFFFFFEC0]  }
0x94: {  	v2 =	vld [tilespmem:s16+$0xFFFFFEE0]  }
0x95: {  	v3 =	vld [tilespmem:s16+$0xFFFFFED0]  }
0x96: {  	v4 =	vld [tilespmem:s16+$0xFFFFFF00]  }
0x97: {  	v5 =	vld [tilespmem:s16+$0xFFFFFF10]  }
0x98: {  	v6 =	vld [tilespmem:s16+$0xFFFFFF20]  }
0x99: {  	v1 =	vadd.f32 v2, v1;
	v2 =	vld [tilespmem:s16+$0xFFFFFF30]  }
0x9a: {  	v0 =	vadd.f32 v0, v3;
	v3 =	vld [tilespmem:s16+$0xFFFFFF40]  }
0x9b: {  	v1 =	vadd.f32 v4, v1;
	v4 =	vld [tilespmem:s16+$0xFFFFFF50]  }
0x9c: {  	v0 =	vadd.f32 v5, v0;
	v5 =	vld [tilespmem:s16+$0xFFFFFF60]  }
0x9d: {  	v1 =	vadd.f32 v6, v1;
	v6 =	vld [tilespmem:s16+$0xFFFFFF70]  }
0x9e: {  	v0 =	vadd.f32 v2, v0;
	v2 =	vld [tilespmem:s16+$0xFFFFFF80]  }
0x9f: {  	v1 =	vadd.f32 v3, v1;
	v3 =	vld [tilespmem:s16+$0xFFFFFF90]  }
0xa0: {  	v0 =	vadd.f32 v4, v0;
	v4 =	vld [tilespmem:s16+$0xFFFFFFA0]  }
0xa1: {  	v1 =	vadd.f32 v5, v1;
	v5 =	vld [tilespmem:s16+$0xFFFFFFB0]  }
0xa2: {  	v0 =	vadd.f32 v6, v0;
	v6 =	vld [tilespmem:s16+$0xFFFFFFC0]  }
0xa3: {  	v1 =	vadd.f32 v2, v1;
	v2 =	vld [tilespmem:s16+$0xFFFFFFD0]  }
0xa4: {  	v0 =	vadd.f32 v3, v0;
	v3 =	vld [tilespmem:s16+$0xFFFFFFE0]  }
0xa5: {  	v1 =	vadd.f32 v4, v1;
	v4 =	vld [tilespmem:s16+$0xFFFFFFF0]  }
0xa6: {  	v0 =	vadd.f32 v5, v0;
	v5 =	vld [tilespmem:s16+$0x0]  }
0xa7: {  	v1 =	vadd.f32 v6, v1;
	v6 =	vld [tilespmem:s16+$0x10]  }
0xa8: {  	v0 =	vadd.f32 v2, v0;
	v2 =	vld [tilespmem:s16+$0x20]  }
0xa9: {  	v1 =	vadd.f32 v3, v1;
	v3 =	vld [tilespmem:s16+$0x30]  }
0xaa: {  	v0 =	vadd.f32 v4, v0;
	v4 =	vld [tilespmem:s16+$0x40]  }
0xab: {  	v1 =	vadd.f32 v5, v1;
	v5 =	vld [tilespmem:s16+$0x50]  }
0xac: {  	v0 =	vadd.f32 v6, v0;
	v6 =	vld [tilespmem:s16+$0x60]  }
0xad: {  	v1 =	vadd.f32 v2, v1;
	v2 =	vld [tilespmem:s16+$0x70]  }
0xae: {  	v0 =	vadd.f32 v3, v0;
	v3 =	vld [tilespmem:s16+$0x80]  }
0xaf: {  	v1 =	vadd.f32 v4, v1;
	v4 =	vld [tilespmem:s16+$0x90]  }
0xb0: {  	v0 =	vadd.f32 v5, v0;
	v5 =	vld [tilespmem:s16+$0xA0]  }
0xb1: {  	v1 =	vadd.f32 v6, v1;
	v6 =	vld [tilespmem:s16+$0xB0]  }
0xb2: {  	v0 =	vadd.f32 v2, v0;
	v2 =	vld [tilespmem:s16+$0xC0]  }
0xb3: {  	v1 =	vadd.f32 v3, v1;
	v3 =	vld [tilespmem:s16+$0xD0]  }
0xb4: {  	v0 =	vadd.f32 v4, v0;
	v4 =	vld [tilespmem:s16+$0xE0]  }
0xb5: {  	v1 =	vadd.f32 v5, v1;
	v5 =	vld [tilespmem:s16+$0xF0]  }
0xb6: {  	v0 =	vadd.f32 v6, v0;
	v6 =	vld [tilespmem:s16+$0x100]  }
0xb7: {  	v1 =	vadd.f32 v2, v1;
	v2 =	vld [tilespmem:s16+$0x110]  }
0xb8: {  	v0 =	vadd.f32 v3, v0;
	v3 =	vld [tilespmem:s16+$0x120]  }
0xb9: {  	v1 =	vadd.f32 v4, v1;
	v4 =	vld [tilespmem:s16+$0x130]  }
0xba: {  	v0 =	vadd.f32 v5, v0  }
.Ltmp0:
0xbb: {  	v1 =	vadd.f32 v6, v1;
	(pc) =	sbr.rel @p0 .LBB2_3-.Ltmp0, $4  }
0xbc: {  	v0 =	vadd.f32 v2, v0  }
0xbd: {  	v1 =	vadd.f32 v3, v1  }
0xbe: {  	s18 =	sshra.s32 s18, $0x2;
	v0 =	vadd.f32 v4, v0  }
0xbf: {  	[tilespmem:s18+$0x14A00] =	vst v1  }
0xc0: {  	s16 =	sshll.u32 s14, $0xC  }
0xc1: {  	s16 =	sadd.s32 s8, s16  }
0xc2: {  	p0 =	seq.s32 s14, $0x19;
	s16 =	sshrl.u32 s16, $0x3  }
0xc3: {  	[tilespmem:s18+$0x14A10] =	vst v0;
	s17 =	smul.u32 @!p0 $0xA00, s14;
	s16 =	sadd.s32 s4, s16  }
0xc4: {  	[hbm4b:s16+s6] =	stream.linear.scatter [tilespmem:s10], [sflag:$0x3], $0x800, $0x38;
	[tilespmem:$0x15A00] =	vst v63  }
0xc5: {  	s16 =	sadd.s32 @!p0 s17, s9;
	_ =	swait.ge [sflag:s11], $0x800  }
0xc6: {  	s16 =	sshrl.u32 @!p0 s16, $0x3;
	[sflag:s11] =	ssyncset.done $0x0  }
0xc7: {  	s17 =	simm.s32 @!p0 $0x0;
	s16 =	sadd.s32 @!p0 s3, s16;
	[sflag:s11] =	ssyncadd.s32 $0xFFFFF800  }
0xc8: {  	[tilespmem:s17], [sflag:$0x3] =	stream.linear.gather @!p0 [hbm4b:s16+s17], $0x500, $0x38;
	[tilespmem:$0x15A00] =	vst v63  }
0xc9: {  	s16 =	simm.s32 @!p0 $0x3  }
0xca: {  	_ =	swait.ge @!p0 [sflag:s16], $0x500  }
0xcb: {  	[sflag:s16] =	ssyncset.done @!p0 $0x0  }
0xcc: {  	s18 =	simm.s32 @!p0 $0xA00;
	[sflag:s16] =	ssyncadd.s32 @!p0 $0xFFFFFB00;
	s16 =	simm.s32 @!p0 $0x80  }
0xcd: {  	[tilespmem:s18], [sflag:$0x1] =	stream.indirect.gather @!p0 [hbm4b:s1+s16], $0x20, s17, s16, $0xb8;
	[tilespmem:$0x15A00] =	vst v63  }
0xce: {  	s17 =	simm.s32 @!p0 $0x1A00  }
0xcf: {  	[tilespmem:s17], [sflag:$0x1] =	stream.indirect.gather @!p0 [hbm4b:s1+s16], $0x20, s16, s16, $0xb8;
	[tilespmem:$0x15A00] =	vst v63  }
0xd0: {  	s18 =	simm.s32 @!p0 $0x2A00;
	s17 =	simm.s32 @!p0 $0x100  }
0xd1: {  	[tilespmem:s18], [sflag:$0x1] =	stream.indirect.gather @!p0 [hbm4b:s1+s16], $0x20, s17, s16, $0xb8;
	[tilespmem:$0x15A00] =	vst v63  }
0xd2: {  	s17 =	simm.s32 @!p0 $0x180;
	s18 =	simm.s32 @!p0 $0x3A00  }
0xd3: {  	[tilespmem:s18], [sflag:$0x1] =	stream.indirect.gather @!p0 [hbm4b:s1+s16], $0x20, s17, s16, $0xb8;
	[tilespmem:$0x15A00] =	vst v63  }
0xd4: {  	s17 =	simm.s32 @!p0 $0x200;
	s18 =	simm.s32 @!p0 $0x4A00  }
0xd5: {  	[tilespmem:s18], [sflag:$0x1] =	stream.indirect.gather @!p0 [hbm4b:s1+s16], $0x20, s17, s16, $0xb8;
	[tilespmem:$0x15A00] =	vst v63  }
0xd6: {  	s17 =	simm.s32 @!p0 $0x280;
	s18 =	simm.s32 @!p0 $0x5A00  }
0xd7: {  	[tilespmem:s18], [sflag:$0x1] =	stream.indirect.gather @!p0 [hbm4b:s1+s16], $0x20, s17, s16, $0xb8;
	[tilespmem:$0x15A00] =	vst v63  }
0xd8: {  	s17 =	simm.s32 @!p0 $0x300;
	s18 =	simm.s32 @!p0 $0x6A00  }
0xd9: {  	[tilespmem:s18], [sflag:$0x1] =	stream.indirect.gather @!p0 [hbm4b:s1+s16], $0x20, s17, s16, $0xb8;
	[tilespmem:$0x15A00] =	vst v63  }
0xda: {  	s17 =	simm.s32 @!p0 $0x380;
	s18 =	simm.s32 @!p0 $0x7A00  }
0xdb: {  	[tilespmem:s18], [sflag:$0x1] =	stream.indirect.gather @!p0 [hbm4b:s1+s16], $0x20, s17, s16, $0xb8;
	[tilespmem:$0x15A00] =	vst v63  }
0xdc: {  	s17 =	simm.s32 @!p0 $0x400;
	s18 =	simm.s32 @!p0 $0x8A00  }
0xdd: {  	[tilespmem:s18], [sflag:$0x1] =	stream.indirect.gather @!p0 [hbm4b:s1+s16], $0x20, s17, s16, $0xb8;
	[tilespmem:$0x15A00] =	vst v63  }
0xde: {  	s17 =	simm.s32 @!p0 $0x480;
	s18 =	simm.s32 @!p0 $0x9A00  }
0xdf: {  	[tilespmem:s18], [sflag:$0x1] =	stream.indirect.gather @!p0 [hbm4b:s1+s16], $0x20, s17, s16, $0xb8;
	[tilespmem:$0x15A00] =	vst v63  }
0xe0: {  	_ =	swait.ge [sflag:s0], $0x1000  }
0xe1: {  	[sflag:s0] =	ssyncset.done $0x0  }
0xe2: {  	[sflag:s0] =	ssyncadd.s32 $0xFFFFF000  }
0xe3: {  	_ =	swait.ge [sflag:s0], $0x1000  }
0xe4: {  	[sflag:s0] =	ssyncset.done $0x0  }
0xe5: {  	[sflag:s0] =	ssyncadd.s32 $0xFFFFF000  }
0xe6: {  	_ =	swait.ge [sflag:s0], $0x1000  }
0xe7: {  	[sflag:s0] =	ssyncset.done $0x0  }
0xe8: {  	[sflag:s0] =	ssyncadd.s32 $0xFFFFF000  }
0xe9: {  	_ =	swait.ge [sflag:s0], $0x1000  }
0xea: {  	[sflag:s0] =	ssyncset.done $0x0  }
0xeb: {  	[sflag:s0] =	ssyncadd.s32 $0xFFFFF000  }
0xec: {  	_ =	swait.ge [sflag:s0], $0x1000  }
0xed: {  	[sflag:s0] =	ssyncset.done $0x0  }
0xee: {  	[sflag:s0] =	ssyncadd.s32 $0xFFFFF000  }
0xef: {  	_ =	swait.ge [sflag:s0], $0x1000  }
0xf0: {  	[sflag:s0] =	ssyncset.done $0x0  }
0xf1: {  	[sflag:s0] =	ssyncadd.s32 $0xFFFFF000  }
0xf2: {  	_ =	swait.ge [sflag:s0], $0x1000  }
0xf3: {  	[sflag:s0] =	ssyncset.done $0x0  }
0xf4: {  	[sflag:s0] =	ssyncadd.s32 $0xFFFFF000  }
0xf5: {  	_ =	swait.ge [sflag:s0], $0x1000  }
0xf6: {  	[sflag:s0] =	ssyncset.done $0x0  }
0xf7: {  	[sflag:s0] =	ssyncadd.s32 $0xFFFFF000  }
0xf8: {  	_ =	swait.ge [sflag:s0], $0x1000  }
0xf9: {  	[sflag:s0] =	ssyncset.done $0x0  }
0xfa: {  	[sflag:s0] =	ssyncadd.s32 $0xFFFFF000  }
0xfb: {  	_ =	swait.ge [sflag:s0], $0x1000  }
0xfc: {  	[sflag:s0] =	ssyncset.done $0x0  }
0xfd: {  	s16 =	simm.s32 $0xAB40;
	[sflag:s0] =	ssyncadd.s32 $0xFFFFF000  }
0xfe: {  	v0 =	vld [tilespmem:s16+$0xFFFFFEF0]  }
0xff: {  	v1 =	vld [tilespmem:s16+$0xFFFFFEC0]  }
0x100: {  	v2 =	vld [tilespmem:s16+$0xFFFFFEE0]  }
0x101: {  	v3 =	vld [tilespmem:s16+$0xFFFFFED0]  }
0x102: {  	v4 =	vld [tilespmem:s16+$0xFFFFFF00]  }
0x103: {  	v5 =	vld [tilespmem:s16+$0xFFFFFF10]  }
0x104: {  	v6 =	vld [tilespmem:s16+$0xFFFFFF20]  }
0x105: {  	v7 =	vld [tilespmem:s16+$0xFFFFFF40];
	v1 =	vadd.f32 v2, v1  }
0x106: {  	v2 =	vld [tilespmem:s16+$0xFFFFFF30]  }
0x107: {  	v44 =	vld [tilespmem:s16+$0xFFFFFF60];
	v0 =	vadd.f32 v0, v3;
	v1 =	vadd.f32 v4, v1  }
0x108: {  	v3 =	vld [tilespmem:s16+$0xFFFFFF50]  }
0x109: {  	v45 =	vld [tilespmem:s16+$0xFFFFFF70];
	v0 =	vadd.f32 v5, v0;
	v1 =	vadd.f32 v6, v1  }
0x10a: {  	v46 =	vld [tilespmem:s16+$0xFFFFFF80]  }
0x10b: {  	v47 =	vld [tilespmem:s16+$0xFFFFFFA0];
	v0 =	vadd.f32 v2, v0;
	v1 =	vadd.f32 v7, v1  }
0x10c: {  	v2 =	vld [tilespmem:s16+$0xFFFFFF90]  }
0x10d: {  	v48 =	vld [tilespmem:s16+$0xFFFFFFC0];
	v0 =	vadd.f32 v3, v0;
	v1 =	vadd.f32 v44, v1  }
0x10e: {  	v3 =	vld [tilespmem:s16+$0xFFFFFFB0]  }
0x10f: {  	v49 =	vld [tilespmem:s16+$0xFFFFFFD0];
	v0 =	vadd.f32 v45, v0;
	v1 =	vadd.f32 v46, v1  }
0x110: {  	v50 =	vld [tilespmem:s16+$0xFFFFFFE0]  }
0x111: {  	v51 =	vld [tilespmem:s16+$0x0];
	v0 =	vadd.f32 v2, v0;
	v1 =	vadd.f32 v47, v1  }
0x112: {  	v2 =	vld [tilespmem:s16+$0xFFFFFFF0]  }
0x113: {  	v52 =	vld [tilespmem:s16+$0x20];
	v0 =	vadd.f32 v3, v0;
	v1 =	vadd.f32 v48, v1  }
0x114: {  	v3 =	vld [tilespmem:s16+$0x10]  }
0x115: {  	v53 =	vld [tilespmem:s16+$0x30];
	v0 =	vadd.f32 v49, v0;
	v1 =	vadd.f32 v50, v1  }
0x116: {  	v54 =	vld [tilespmem:s16+$0x40]  }
0x117: {  	v55 =	vld [tilespmem:s16+$0x60];
	v0 =	vadd.f32 v2, v0;
	v1 =	vadd.f32 v51, v1  }
0x118: {  	v2 =	vld [tilespmem:s16+$0x50]  }
0x119: {  	v56 =	vld [tilespmem:s16+$0x80];
	v0 =	vadd.f32 v3, v0;
	v1 =	vadd.f32 v52, v1  }
0x11a: {  	v3 =	vld [tilespmem:s16+$0x70]  }
0x11b: {  	v57 =	vld [tilespmem:s16+$0x90];
	v0 =	vadd.f32 v53, v0;
	v1 =	vadd.f32 v54, v1  }
0x11c: {  	v58 =	vld [tilespmem:s16+$0xA0]  }
0x11d: {  	v59 =	vld [tilespmem:s16+$0xC0];
	v0 =	vadd.f32 v2, v0;
	v1 =	vadd.f32 v55, v1  }
0x11e: {  	v2 =	vld [tilespmem:s16+$0xB0]  }
0x11f: {  	v60 =	vld [tilespmem:s16+$0xE0];
	v0 =	vadd.f32 v3, v0;
	v1 =	vadd.f32 v56, v1  }
0x120: {  	v3 =	vld [tilespmem:s16+$0xD0]  }
0x121: {  	v61 =	vld [tilespmem:s16+$0xF0];
	v0 =	vadd.f32 v57, v0;
	v1 =	vadd.f32 v58, v1  }
0x122: {  	v62 =	vld [tilespmem:s16+$0x100]  }
0x123: {  	v63 =	vld [tilespmem:s16+$0x120];
	v0 =	vadd.f32 v2, v0;
	v1 =	vadd.f32 v59, v1  }
0x124: {  	v2 =	vld [tilespmem:s16+$0x110]  }
0x125: {  	v0 =	vadd.f32 v3, v0;
	v1 =	vadd.f32 v60, v1  }
0x126: {  	v3 =	vld [tilespmem:s16+$0x130]  }
0x127: {  	v0 =	vadd.f32 v61, v0;
	v1 =	vadd.f32 v62, v1;
	_ =	sdelay $0x1  }
0x128: {  	v0 =	vadd.f32 v2, v0;
	v1 =	vadd.f32 v63, v1  }
0x129: {  	s18 =	simm.s32 $0x0  }
0x12a: {  	s17 =	simm.s32 $0x80;
	v0 =	vadd.f32 v3, v0;
	[tilespmem:s18+$0x15200] =	vst v1  }
.LBB2_5:
0x12b: {  	p0 =	sne.s32 s17, $0x1F80  }
0x12c: {  	[tilespmem:s18+$0x15210] =	vst v0;
	s16 =	sadd.s32 $0x280, s16;
	s18 =	smov.u32 s17;
	s17 =	sadd.s32 $0x80, s17  }
0x12d: {  	v0 =	vld [tilespmem:s16+$0xFFFFFEF0]  }
0x12e: {  	v1 =	vld [tilespmem:s16+$0xFFFFFEC0]  }
0x12f: {  	v2 =	vld [tilespmem:s16+$0xFFFFFEE0]  }
0x130: {  	v3 =	vld [tilespmem:s16+$0xFFFFFED0]  }
0x131: {  	v4 =	vld [tilespmem:s16+$0xFFFFFF00]  }
0x132: {  	v5 =	vld [tilespmem:s16+$0xFFFFFF10]  }
0x133: {  	v6 =	vld [tilespmem:s16+$0xFFFFFF20]  }
0x134: {  	v1 =	vadd.f32 v2, v1;
	v2 =	vld [tilespmem:s16+$0xFFFFFF30]  }
0x135: {  	v0 =	vadd.f32 v0, v3;
	v3 =	vld [tilespmem:s16+$0xFFFFFF40]  }
0x136: {  	v1 =	vadd.f32 v4, v1;
	v4 =	vld [tilespmem:s16+$0xFFFFFF50]  }
0x137: {  	v0 =	vadd.f32 v5, v0;
	v5 =	vld [tilespmem:s16+$0xFFFFFF60]  }
0x138: {  	v1 =	vadd.f32 v6, v1;
	v6 =	vld [tilespmem:s16+$0xFFFFFF70]  }
0x139: {  	v0 =	vadd.f32 v2, v0;
	v2 =	vld [tilespmem:s16+$0xFFFFFF80]  }
0x13a: {  	v1 =	vadd.f32 v3, v1;
	v3 =	vld [tilespmem:s16+$0xFFFFFF90]  }
0x13b: {  	v0 =	vadd.f32 v4, v0;
	v4 =	vld [tilespmem:s16+$0xFFFFFFA0]  }
0x13c: {  	v1 =	vadd.f32 v5, v1;
	v5 =	vld [tilespmem:s16+$0xFFFFFFB0]  }
0x13d: {  	v0 =	vadd.f32 v6, v0;
	v6 =	vld [tilespmem:s16+$0xFFFFFFC0]  }
0x13e: {  	v1 =	vadd.f32 v2, v1;
	v2 =	vld [tilespmem:s16+$0xFFFFFFD0]  }
0x13f: {  	v0 =	vadd.f32 v3, v0;
	v3 =	vld [tilespmem:s16+$0xFFFFFFE0]  }
0x140: {  	v1 =	vadd.f32 v4, v1;
	v4 =	vld [tilespmem:s16+$0xFFFFFFF0]  }
0x141: {  	v0 =	vadd.f32 v5, v0;
	v5 =	vld [tilespmem:s16+$0x0]  }
0x142: {  	v1 =	vadd.f32 v6, v1;
	v6 =	vld [tilespmem:s16+$0x10]  }
0x143: {  	v0 =	vadd.f32 v2, v0;
	v2 =	vld [tilespmem:s16+$0x20]  }
0x144: {  	v1 =	vadd.f32 v3, v1;
	v3 =	vld [tilespmem:s16+$0x30]  }
0x145: {  	v0 =	vadd.f32 v4, v0;
	v4 =	vld [tilespmem:s16+$0x40]  }
0x146: {  	v1 =	vadd.f32 v5, v1;
	v5 =	vld [tilespmem:s16+$0x50]  }
0x147: {  	v0 =	vadd.f32 v6, v0;
	v6 =	vld [tilespmem:s16+$0x60]  }
0x148: {  	v1 =	vadd.f32 v2, v1;
	v2 =	vld [tilespmem:s16+$0x70]  }
0x149: {  	v0 =	vadd.f32 v3, v0;
	v3 =	vld [tilespmem:s16+$0x80]  }
0x14a: {  	v1 =	vadd.f32 v4, v1;
	v4 =	vld [tilespmem:s16+$0x90]  }
0x14b: {  	v0 =	vadd.f32 v5, v0;
	v5 =	vld [tilespmem:s16+$0xA0]  }
0x14c: {  	v1 =	vadd.f32 v6, v1;
	v6 =	vld [tilespmem:s16+$0xB0]  }
0x14d: {  	v0 =	vadd.f32 v2, v0;
	v2 =	vld [tilespmem:s16+$0xC0]  }
0x14e: {  	v1 =	vadd.f32 v3, v1;
	v3 =	vld [tilespmem:s16+$0xD0]  }
0x14f: {  	v0 =	vadd.f32 v4, v0;
	v4 =	vld [tilespmem:s16+$0xE0]  }
0x150: {  	v1 =	vadd.f32 v5, v1;
	v5 =	vld [tilespmem:s16+$0xF0]  }
0x151: {  	v0 =	vadd.f32 v6, v0;
	v6 =	vld [tilespmem:s16+$0x100]  }
0x152: {  	v1 =	vadd.f32 v2, v1;
	v2 =	vld [tilespmem:s16+$0x110]  }
0x153: {  	v0 =	vadd.f32 v3, v0;
	v3 =	vld [tilespmem:s16+$0x120]  }
0x154: {  	v1 =	vadd.f32 v4, v1;
	v4 =	vld [tilespmem:s16+$0x130]  }
0x155: {  	v0 =	vadd.f32 v5, v0  }
.Ltmp1:
0x156: {  	v1 =	vadd.f32 v6, v1;
	(pc) =	sbr.rel @p0 .LBB2_5-.Ltmp1, $4  }
0x157: {  	v0 =	vadd.f32 v2, v0  }
0x158: {  	v1 =	vadd.f32 v3, v1  }
0x159: {  	s18 =	sshra.s32 s18, $0x2;
	v0 =	vadd.f32 v4, v0  }
0x15a: {  	[tilespmem:s18+$0x15200] =	vst v1  }
0x15b: {  	s15 =	sshll.u32 s15, $0xB  }
0x15c: {  	s14 =	sadd.s32 $0x1, s14;
	s15 =	sadd.s32 s8, s15  }
0x15d: {  	p0 =	sne.s32 s14, $0x1A;
	s15 =	sshrl.u32 s15, $0x3  }
.Ltmp2:
0x15e: {  	[tilespmem:s18+$0x15210] =	vst v0;
	s15 =	sadd.s32 s4, s15;
	(pc) =	sbr.rel @p0 .LBB2_2-.Ltmp2, $4  }
0x15f: {  	[hbm4b:s15+s6] =	stream.linear.scatter [tilespmem:s13], [sflag:$0x3], $0x800, $0x38;
	[tilespmem:$0x15A00] =	vst v63  }
0x160: {  	_ =	swait.ge [sflag:s11], $0x800  }
0x161: {  	[sflag:s11] =	ssyncset.done $0x0  }
0x162: {  	[sflag:s11] =	ssyncadd.s32 $0xFFFFF800  }
0x163: {  	s15 =	rddreg [dreg:$0x6]  }
0x164: {  	s14 =	rddreg [dreg:$0x5];
	s15 =	sadd.s32 $0x1, s15  }
0x165: {  	p0 =	sne.s32 s15, s14  }
.Ltmp3:
0x166: {  	_ = 	snop;
	(pc) =	sbr.rel @p0 .LBB2_1-.Ltmp3, $1  }
0x167: {  	_ =	sdelay $0x3  }
0x168: {  	_ =	sfence.sel $0x180000  }
0x169: {  	[bflag:$0x0] =	sbarrier.arrive $0xFFFF  }
0x16a: {  	_ =	strace $0x90000047  }
0x16b: {  	s0 =	stileid.u32;
	[bflag:$0x2] =	sbarrier.arrive $0xFFFF  }
0x16c: {  	p0 =	sne.s32 s0, $0x0;
	s0 =	rddreg [dreg:$0x3]  }
0x16d: {  	s0 =	sadd.s32 @!p0 $0x100000, s0  }
0x16e: {  	[sflag:s0] =	ssyncadd.tile.s32 @!p0 $0x1;
	_ =	shalt  }
.Lfunc_end2:
_tile_overlayer_lowered:
.L_overlay_start_2:
0x16f: {  	(tag) =	ssettag $0x2  }
0x170: {  	s0 =	rddreg [dreg:$0x0];
	s2 =	stileid.u32  }
0x171: {  	s1 =	rddreg [dreg:$0x1];
	p0 =	sne.s32 s2, $0x0  }
0x172: {  	s3 =	rddreg [dreg:$0x2];
	[bflag:$0x3] =	sbarrier.arrive $0xFFFF;
	s2 =	simm.s32 @!p0 $0x1C03  }
0x173: {  	[timem:s3], [sflag:s2] =	dma.local @!p0 [hbm:s0], s1  }
0x174: {  	s0 =	simm.s32 @!p0 $0x3  }
0x175: {  	_ =	swait.ge @!p0 [sflag:s0], s1  }
0x176: {  	s1 =	ssub.s32 @!p0 $0x0, s1;
	[sflag:s0] =	ssyncset.done @!p0 $0x0  }
0x177: {  	[sflag:s0] =	ssyncadd.s32 @!p0 s1  }
0x178: {  	[bflag:$0x3] =	sbarrier.arrive $0xFFFF  }
0x179: {  	_ =	shalt  }

</sc_bundles>
